<compile_context>
chip_gen: v7x
topology: tpu7x:2x2x1
jax: 0.10.2.dev20260603
libtpu: 0.0.44.dev20260713+nightly
codegen_flags: <defaults>
</compile_context>

<pallas_src>
import functools

import jax
import jax.numpy as jnp
from jax import lax
from jax.experimental import pallas as pl
from jax.experimental.pallas import tpu as pltpu
from jax.experimental.pallas import tpu_sc as plsc

N_BINS = 100
EPS = 1e-05

NC, NS, L = 2, 16, 16
NW = NC * NS
N_ROWS = 1048576
F = 32
CHUNK = 32768
N_CHUNKS = N_ROWS // CHUNK
RB1 = 2048
RB2 = 1024

_mesh = plsc.VectorSubcoreMesh(
    core_axis_name="c", subcore_axis_name="s", num_cores=NC, num_subcores=NS)
_cparams = pltpu.CompilerParams(needs_layout_passes=False)


def _keybits(v):
    u = lax.bitcast_convert_type(v, jnp.int32)
    m = lax.shift_right_arithmetic(u, jnp.full((L,), 31, jnp.int32))
    return lax.bitwise_xor(u, lax.bitwise_or(m, jnp.full((L,), -2**31, jnp.int32)))


def _zero_ref(ref, nwords):
    z = jnp.zeros((L,), jnp.float32)

    @plsc.parallel_loop(0, nwords // L, unroll=8)
    def body(i):
        ref[pl.ds(i * L, L)] = z


@functools.partial(
    pl.kernel,
    out_type=(
        jax.ShapeDtypeStruct((NW, RB1 * L), jnp.float32),
        jax.ShapeDtypeStruct((NW, 5 * L), jnp.float32),
    ),
    mesh=_mesh,
    compiler_params=_cparams,
    scratch_types=[
        pltpu.VMEM((CHUNK // 128, 128), jnp.float32),
        pltpu.VMEM((CHUNK // 128, 128), jnp.float32),
        pltpu.VMEM((RB1 * L,), jnp.float32),
        pltpu.VMEM((5 * L,), jnp.float32),
        pltpu.SemaphoreType.DMA,
        pltpu.SemaphoreType.DMA,
    ],
)
def _pass1(x_hbm, hist_out, mom_out, buf0, buf1, hist, mom, sem0, sem1):
    wid = lax.axis_index("c") * NS + lax.axis_index("s")
    fh = lax.shift_right_logical(wid, 3)
    fl = lax.bitwise_and(wid, 7)
    lane = lax.iota(jnp.int32, L)
    ones = jnp.ones((L,), jnp.float32)
    c17 = jnp.full((L,), 17, jnp.int32)
    cm = jnp.full((L,), (RB1 - 1) * L, jnp.int32)

    _zero_ref(hist, RB1 * L)

    bufs, sems = (buf0, buf1), (sem0, sem1)

    def dma_start(c, b):
        base = pl.multiple_of(c * (CHUNK // 128), 8)
        pltpu.async_copy(
            x_hbm.at[fh, pl.ds(base, CHUNK // 128), fl], bufs[b], sems[b])

    dma_start(0, 0)
    dma_start(1, 1)

    def process(buf, carry):
        zero = jnp.zeros((L,), jnp.float32)
        pinf = jnp.full((L,), jnp.inf, jnp.float32)
        ninf = jnp.full((L,), -jnp.inf, jnp.float32)
        init = (zero, zero, zero, pinf, ninf)

        @plsc.parallel_loop(0, CHUNK // L, carry=init, unroll=8)
        def rc(r, rcv):
            s1, s2, s3, mn, mx = rcv
            v = buf[r >> 3, pl.ds((r & 7) * L, L)]
            s1 = s1 + v
            v2 = v * v
            s2 = s2 + v2
            s3 = s3 + v2 * v
            mn = jnp.minimum(mn, v)
            mx = jnp.maximum(mx, v)
            key = _keybits(v)
            b1 = lax.bitwise_and(lax.shift_right_logical(key, c17), cm)
            plsc.addupdate_scatter(hist, [lax.bitwise_or(b1, lane)], ones)
            return (s1, s2, s3, mn, mx)

        s1, s2, s3, mn, mx = carry
        t1, t2, t3, tn, tx = rc
        return (s1 + t1, s2 + t2, s3 + t3,
                jnp.minimum(mn, tn), jnp.maximum(mx, tx))

    def outer(g, carry):
        for b in range(2):
            c = 2 * g + b
            pltpu.make_async_copy(
                x_hbm.at[0, pl.ds(0, CHUNK // 128), 0], bufs[b], sems[b]).wait()
            carry = process(bufs[b], carry)

            @pl.when(c + 2 < N_CHUNKS)
            def _():
                dma_start(c + 2, b)
        return carry

    zero = jnp.zeros((L,), jnp.float32)
    pinf = jnp.full((L,), jnp.inf, jnp.float32)
    ninf = jnp.full((L,), -jnp.inf, jnp.float32)
    fin = lax.fori_loop(0, N_CHUNKS // 2, outer, (zero, zero, zero, pinf, ninf))

    for j in range(5):
        mom[pl.ds(j * L, L)] = fin[j]
    pltpu.sync_copy(mom, mom_out.at[wid])
    pltpu.sync_copy(hist, hist_out.at[wid])


@functools.partial(
    pl.kernel,
    out_type=(
        jax.ShapeDtypeStruct((NW, N_BINS * L), jnp.float32),
        jax.ShapeDtypeStruct((NW, 2 * RB2 * L), jnp.float32),
        jax.ShapeDtypeStruct((NW, 2 * L), jnp.float32),
    ),
    mesh=_mesh,
    compiler_params=_cparams,
    scratch_types=[
        pltpu.VMEM((CHUNK // 128, 128), jnp.float32),
        pltpu.VMEM((CHUNK // 128, 128), jnp.float32),
        pltpu.VMEM((N_BINS * L,), jnp.float32),
        pltpu.VMEM((2 * RB2 * L,), jnp.float32),
        pltpu.VMEM((2 * L,), jnp.float32),
        pltpu.VMEM((3 * L,), jnp.float32),
        pltpu.VMEM((2 * L,), jnp.int32),
        pltpu.SemaphoreType.DMA,
        pltpu.SemaphoreType.DMA,
    ],
)
def _pass2(x_hbm, fpar_hbm, ipar_hbm, h100_out, h2_out, mom_out,
           buf0, buf1, h100, h2, mom, fpar, ipar, sem0, sem1):
    wid = lax.axis_index("c") * NS + lax.axis_index("s")
    fh = lax.shift_right_logical(wid, 3)
    fl = lax.bitwise_and(wid, 7)
    lane = lax.iota(jnp.int32, L)
    ones = jnp.ones((L,), jnp.float32)
    c21 = jnp.full((L,), 21, jnp.int32)
    c7 = jnp.full((L,), 7, jnp.int32)
    cq = jnp.full((L,), (RB2 - 1) * L, jnp.int32)
    c0 = jnp.zeros((L,), jnp.int32)
    c99 = jnp.full((L,), N_BINS - 1, jnp.int32)
    c4 = jnp.full((L,), 4, jnp.int32)
    coff = jnp.full((L,), RB2 * L, jnp.int32)

    pltpu.sync_copy(fpar_hbm.at[pl.ds(pl.multiple_of(wid * L, 8), L)],
                    fpar.at[pl.ds(0, L)])
    pltpu.sync_copy(fpar_hbm.at[pl.ds(pl.multiple_of(NW * L + wid * L, 8), L)],
                    fpar.at[pl.ds(L, L)])
    pltpu.sync_copy(fpar_hbm.at[pl.ds(pl.multiple_of(2 * NW * L + wid * L, 8), L)],
                    fpar.at[pl.ds(2 * L, L)])
    pltpu.sync_copy(ipar_hbm.at[pl.ds(pl.multiple_of(wid * L, 8), L)],
                    ipar.at[pl.ds(0, L)])
    pltpu.sync_copy(ipar_hbm.at[pl.ds(pl.multiple_of(NW * L + wid * L, 8), L)],
                    ipar.at[pl.ds(L, L)])
    mean = fpar[pl.ds(0, L)]
    sc = fpar[pl.ds(L, L)]
    tr = fpar[pl.ds(2 * L, L)]
    pa = ipar[pl.ds(0, L)]
    pb = ipar[pl.ds(L, L)]

    _zero_ref(h100, N_BINS * L)
    _zero_ref(h2, 2 * RB2 * L)

    bufs, sems = (buf0, buf1), (sem0, sem1)

    def dma_start(c, b):
        base = pl.multiple_of(c * (CHUNK // 128), 8)
        pltpu.async_copy(
            x_hbm.at[fh, pl.ds(base, CHUNK // 128), fl], bufs[b], sems[b])

    dma_start(0, 0)
    dma_start(1, 1)

    def process(buf, carry):
        zero = jnp.zeros((L,), jnp.float32)

        @plsc.parallel_loop(0, CHUNK // L, carry=zero, unroll=8)
        def rc(r, mad):
            v = buf[r >> 3, pl.ds((r & 7) * L, L)]
            mad = mad + jnp.abs(v - mean)
            g = v * sc + tr
            bi = jnp.minimum(g.astype(jnp.int32), c99)
            plsc.addupdate_scatter(
                h100, [lax.bitwise_or(lax.shift_left(bi, c4), lane)], ones)
            key = _keybits(v)
            p = lax.shift_right_logical(key, c21)
            qb = lax.bitwise_and(lax.shift_right_logical(key, c7), cq)
            qidx = lax.bitwise_or(qb, lane)
            isb = p == pb
            qidx = qidx + jnp.where(isb, coff, c0)
            plsc.addupdate_scatter(h2, [qidx], ones, mask=(p == pa) | isb)
            return mad

        return carry + rc

    def outer(g, carry):
        for b in range(2):
            c = 2 * g + b
            pltpu.make_async_copy(
                x_hbm.at[0, pl.ds(0, CHUNK // 128), 0], bufs[b], sems[b]).wait()
            carry = process(bufs[b], carry)

            @pl.when(c + 2 < N_CHUNKS)
            def _():
                dma_start(c + 2, b)
        return carry

    zero = jnp.zeros((L,), jnp.float32)
    fin = lax.fori_loop(0, N_CHUNKS // 2, outer, zero)

    mom[pl.ds(0, L)] = fin
    mom[pl.ds(L, L)] = zero
    pltpu.sync_copy(mom, mom_out.at[wid])
    pltpu.sync_copy(h100, h100_out.at[wid])
    pltpu.sync_copy(h2, h2_out.at[wid])


def _reconstruct(keyu):
    pos = keyu >= jnp.uint32(2**31)
    u = jnp.where(pos, keyu ^ jnp.uint32(2**31), ~keyu)
    return lax.bitcast_convert_type(u, jnp.float32)


def kernel(x):
    N, _, _ = x.shape
    xt = x[:, 0, :].reshape(N // 128, 128, F // 8, 8).transpose(2, 0, 3, 1)

    histp, momp = _pass1(xt)
    momp = momp.reshape(NW, 5, L)
    s1 = momp[:, 0].sum(1)
    s2 = momp[:, 1].sum(1)
    s3 = momp[:, 2].sum(1)
    mn = momp[:, 3].min(1)
    mx = momp[:, 4].max(1)
    mean = s1 / N
    m2 = s2 / N
    m3 = s3 / N

    hist1 = histp.reshape(NW, RB1, L).sum(2)
    cum = jnp.cumsum(hist1, axis=1)
    ra, rb = N // 2 - 1, N // 2
    pa = jnp.sum(cum <= ra, axis=1).astype(jnp.int32)
    pb = jnp.sum(cum <= rb, axis=1).astype(jnp.int32)
    cum0 = cum - hist1
    ra_l = ra - jnp.take_along_axis(cum0, pa[:, None], axis=1)[:, 0]
    rb_l = rb - jnp.take_along_axis(cum0, pb[:, None], axis=1)[:, 0]

    scale = N_BINS / (mx - mn + EPS)
    rep = lambda a: jnp.repeat(a, L)
    fpar = jnp.concatenate([rep(mean), rep(scale), rep(-mn * scale)])
    ipar = jnp.concatenate([rep(pa), rep(pb)])

    h100p, h2p, mom2p = _pass2(xt, fpar, ipar)
    hist100 = h100p.reshape(NW, N_BINS, L).sum(2)
    hist2 = h2p.reshape(NW, 2, RB2, L).sum(3)
    mom2 = mom2p.reshape(NW, 2, L)
    mad = mom2[:, 0].sum(1) / N
    std = jnp.sqrt((s2 - s1 * s1 / N) / (N - 1))

    hist2a = jnp.where((pa == pb)[:, None], hist2[:, 1], hist2[:, 0])
    qa = jnp.sum(jnp.cumsum(hist2a, axis=1) <= ra_l[:, None], axis=1)
    qb = jnp.sum(jnp.cumsum(hist2[:, 1], axis=1) <= rb_l[:, None], axis=1)
    key_a = (pa.astype(jnp.uint32) << 21) | (qa.astype(jnp.uint32) << 11) | 1024
    key_b = (pb.astype(jnp.uint32) << 21) | (qb.astype(jnp.uint32) << 11) | 1024
    median = (_reconstruct(key_a) + _reconstruct(key_b)) * 0.5

    hist_n = hist100 / N
    ecdf = jnp.cumsum(hist_n, axis=1)
    return jnp.concatenate(
        [mean, m2, m3, median, std, mad, hist_n.ravel(), ecdf.ravel()])

# --- scband reference (transcript-rebuilt; emitter-appended) ---
"""Pipeline reference for scband-statistical-measures-74277164417578 (READ-ONLY COPY).

The authoritative reference and input builder live on the scoring server;
editing this copy changes nothing except your own understanding.
"""

import jax, jax.numpy as jnp
import numpy as np

N_BINS = 100
EPS = 1e-05
MEAN_ORDERS = (2, 3)


def setup_inputs(seed: int = 0) -> dict:
    key = jax.random.key(seed)
    x = jax.random.normal(key, (1048576, 1, 32), dtype=jnp.float32)
    return {"x": x}


def reference(x):
    # x: (n_samples, 1, n_features)
    N, _, F = x.shape
    xf = x[:, 0, :]  # (N, F)

    # mean along sample axis
    mean_ = jnp.mean(xf, axis=0)  # (F,)

    # higher-order mean moments (orders 2, 3), concatenated
    mean_orders_ = jnp.concatenate([jnp.mean(xf ** o, axis=0) for o in MEAN_ORDERS])  # (len(orders)*F,)

    # median along sample axis
    median_ = jnp.median(xf, axis=0)  # (F,)

    # unbiased std (torch default ddof=1)
    std_ = jnp.std(xf, axis=0, ddof=1)  # (F,)

    # centered + mean absolute deviation
    centered = xf - mean_[None, :]
    mad_ = jnp.mean(jnp.abs(centered), axis=0)  # (F,)

    # per-feature histogram with N_BINS bins over [min, max]
    mn = jnp.min(xf, axis=0)
    mx = jnp.max(xf, axis=0)
    scaled = (xf - mn[None, :]) / ((mx - mn) + EPS)[None, :]
    bin_idx = jnp.clip((scaled * N_BINS).astype(jnp.int32), 0, N_BINS - 1)  # (N, F)
    flat_idx = (bin_idx + (jnp.arange(F, dtype=jnp.int32) * N_BINS)[None, :]).ravel()
    hist = jnp.zeros((F * N_BINS,), dtype=jnp.float32).at[flat_idx].add(1.0)
    hist_n = hist.reshape(F, N_BINS) / N  # normalized histogram per feature

    # empirical CDF from normalized histogram
    ecdf = jnp.cumsum(hist_n, axis=1)  # (F, N_BINS)

    # concatenate all statistics into one flat feature vector
    out = jnp.concatenate([
        mean_,
        mean_orders_,
        median_,
        std_,
        mad_,
        hist_n.ravel(),
        ecdf.ravel(),
    ])
    return out

if __name__ == "__main__":
    import jax
    _d = setup_inputs()
    print(jax.jit(kernel)(*tuple(_d.values())))

</pallas_src>

<mosaic_0001>
#map = affine_map<(d0, d1) -> (0, 0, 0, 0)>
#map1 = affine_map<(d0, d1) -> (0)>
#map2 = affine_map<(d0, d1) -> (0, 0)>
module attributes {stable_mosaic.version = 14 : i64} {
  func.func @_pass2(%arg0: i32, %arg1: i32, %arg2: memref<4x8192x8x128xf32, #tpu.memory_space<hbm>>, %arg3: memref<1536xf32, #tpu.memory_space<hbm>>, %arg4: memref<1024xi32, #tpu.memory_space<hbm>>, %arg5: memref<32x1600xf32, #tpu.memory_space<hbm>>, %arg6: memref<32x32768xf32, #tpu.memory_space<hbm>>, %arg7: memref<32x32xf32, #tpu.memory_space<hbm>>, %arg8: memref<256x128xf32, #tpu.memory_space<vmem>>, %arg9: memref<256x128xf32, #tpu.memory_space<vmem>>, %arg10: memref<1600xf32, #tpu.memory_space<vmem>>, %arg11: memref<32768xf32, #tpu.memory_space<vmem>>, %arg12: memref<32xf32, #tpu.memory_space<vmem>>, %arg13: memref<48xf32, #tpu.memory_space<vmem>>, %arg14: memref<32xi32, #tpu.memory_space<vmem>>, %arg15: memref<!tpu.dma_semaphore, #tpu.memory_space<semaphore_mem>>, %arg16: memref<!tpu.dma_semaphore, #tpu.memory_space<semaphore_mem>>) attributes {dimension_semantics = [#tpu.dimension_semantics<core_parallel>, #tpu.dimension_semantics<subcore_parallel>], iteration_bounds = array<i64: 2, 16>, scalar_prefetch = 0 : i64, scratch_operands = 9 : i64, tpu.core_type = #tpu.core_type<sc_vector_subcore>, window_params = [{transform_indices = #map}, {transform_indices = #map1}, {transform_indices = #map1}, {transform_indices = #map2}, {transform_indices = #map2}, {transform_indices = #map2}]} {
    %mul3A = arith.constant 16 : i32
    %mul3A_0 = arith.muli %arg0, %mul3A : i32
    %add3A = arith.addi %mul3A_0, %arg1 : i32
    %shift_right_logical3A = arith.constant 3 : i32
    %shift_right_logical3A_1 = arith.shrui %add3A, %shift_right_logical3A : i32
    %and3A = arith.constant 7 : i32
    %and3A_2 = arith.andi %add3A, %and3A : i32
    %iota3A = tpu.iota {dimensions = array<i32: 0>} : vector<16xi32>
    %broadcast_in_dim3A = arith.constant 1.000000e+00 : f32
    %broadcast_in_dim3A_3 = vector.broadcast %broadcast_in_dim3A : f32 to vector<16xf32>
    %broadcast_in_dim3A_4 = arith.constant 21 : i32
    %broadcast_in_dim3A_5 = vector.broadcast %broadcast_in_dim3A_4 : i32 to vector<16xi32>
    %broadcast_in_dim3A_6 = arith.constant 7 : i32
    %broadcast_in_dim3A_7 = vector.broadcast %broadcast_in_dim3A_6 : i32 to vector<16xi32>
    %broadcast_in_dim3A_8 = arith.constant 16368 : i32
    %broadcast_in_dim3A_9 = vector.broadcast %broadcast_in_dim3A_8 : i32 to vector<16xi32>
    %broadcast_in_dim3A_10 = arith.constant 0 : i32
    %broadcast_in_dim3A_11 = vector.broadcast %broadcast_in_dim3A_10 : i32 to vector<16xi32>
    %broadcast_in_dim3A_12 = arith.constant 99 : i32
    %broadcast_in_dim3A_13 = vector.broadcast %broadcast_in_dim3A_12 : i32 to vector<16xi32>
    %broadcast_in_dim3A_14 = arith.constant 4 : i32
    %broadcast_in_dim3A_15 = vector.broadcast %broadcast_in_dim3A_14 : i32 to vector<16xi32>
    %broadcast_in_dim3A_16 = arith.constant 16384 : i32
    %broadcast_in_dim3A_17 = vector.broadcast %broadcast_in_dim3A_16 : i32 to vector<16xi32>
    %mul3A_18 = arith.constant 16 : i32
    %mul3A_19 = arith.muli %add3A, %mul3A_18 : i32
    %multiple_of3A = tpu.assume_multiple %mul3A_19, 8 : i32
    "tpu.region"() ({
      %run_scoped3A = tpu.sem_alloc : memref<!tpu.dma_semaphore, #tpu.memory_space<semaphore_mem>>
      %dma_start3A_81 = arith.constant 0 : i32
      %dma_start3A_82 = tpu.memref_slice %arg13[%dma_start3A_81] : memref<48xf32, #tpu.memory_space<vmem>> -> memref<16xf32, #tpu.memory_space<vmem>>
      %dma_start3A_83 = tpu.memref_slice %arg3[%multiple_of3A] : memref<1536xf32, #tpu.memory_space<hbm>> -> memref<16xf32, #tpu.memory_space<hbm>>
      %dma_start3A_84 = arith.constant 0 : i32
      %dma_start3A_85 = tpu.memref_slice %arg13[%dma_start3A_84] : memref<48xf32, #tpu.memory_space<vmem>> -> memref<16xf32, #tpu.memory_space<vmem>>
      %dma_start3A_86 = tpu.memref_slice %arg3[%multiple_of3A] : memref<1536xf32, #tpu.memory_space<hbm>> -> memref<16xf32, #tpu.memory_space<hbm>>
      tpu.enqueue_dma source(%dma_start3A_86 : memref<16xf32, #tpu.memory_space<hbm>>) target(%dma_start3A_85 : memref<16xf32, #tpu.memory_space<vmem>>) target_semaphore(%run_scoped3A : memref<!tpu.dma_semaphore, #tpu.memory_space<semaphore_mem>>)
      %dma_wait3A = arith.constant 0 : i32
      %dma_wait3A_87 = tpu.memref_slice %arg13[%dma_wait3A] : memref<48xf32, #tpu.memory_space<vmem>> -> memref<16xf32, #tpu.memory_space<vmem>>
      %dma_wait3A_88 = tpu.memref_slice %arg3[%multiple_of3A] : memref<1536xf32, #tpu.memory_space<hbm>> -> memref<16xf32, #tpu.memory_space<hbm>>
      %dma_wait3A_89 = arith.constant 0 : i32
      %dma_wait3A_90 = tpu.memref_slice %arg13[%dma_wait3A_89] : memref<48xf32, #tpu.memory_space<vmem>> -> memref<16xf32, #tpu.memory_space<vmem>>
      %dma_wait3A_91 = tpu.memref_slice %arg3[%multiple_of3A] : memref<1536xf32, #tpu.memory_space<hbm>> -> memref<16xf32, #tpu.memory_space<hbm>>
      tpu.wait_dma2 semaphore(%run_scoped3A : memref<!tpu.dma_semaphore, #tpu.memory_space<semaphore_mem>>) src(%dma_wait3A_91 : memref<16xf32, #tpu.memory_space<hbm>>) dst(%dma_wait3A_90 : memref<16xf32, #tpu.memory_space<vmem>>)
      tpu.yield
    }) : () -> ()
    %mul3A_20 = arith.constant 16 : i32
    %mul3A_21 = arith.muli %add3A, %mul3A_20 : i32
    %add3A_22 = arith.constant 512 : i32
    %add3A_23 = arith.addi %add3A_22, %mul3A_21 : i32
    %multiple_of3A_24 = tpu.assume_multiple %add3A_23, 8 : i32
    "tpu.region"() ({
      %run_scoped3A = tpu.sem_alloc : memref<!tpu.dma_semaphore, #tpu.memory_space<semaphore_mem>>
      %dma_start3A_81 = arith.constant 16 : i32
      %dma_start3A_82 = tpu.memref_slice %arg13[%dma_start3A_81] : memref<48xf32, #tpu.memory_space<vmem>> -> memref<16xf32, #tpu.memory_space<vmem>>
      %dma_start3A_83 = tpu.memref_slice %arg3[%multiple_of3A_24] : memref<1536xf32, #tpu.memory_space<hbm>> -> memref<16xf32, #tpu.memory_space<hbm>>
      %dma_start3A_84 = arith.constant 16 : i32
      %dma_start3A_85 = tpu.memref_slice %arg13[%dma_start3A_84] : memref<48xf32, #tpu.memory_space<vmem>> -> memref<16xf32, #tpu.memory_space<vmem>>
      %dma_start3A_86 = tpu.memref_slice %arg3[%multiple_of3A_24] : memref<1536xf32, #tpu.memory_space<hbm>> -> memref<16xf32, #tpu.memory_space<hbm>>
      tpu.enqueue_dma source(%dma_start3A_86 : memref<16xf32, #tpu.memory_space<hbm>>) target(%dma_start3A_85 : memref<16xf32, #tpu.memory_space<vmem>>) target_semaphore(%run_scoped3A : memref<!tpu.dma_semaphore, #tpu.memory_space<semaphore_mem>>)
      %dma_wait3A = arith.constant 16 : i32
      %dma_wait3A_87 = tpu.memref_slice %arg13[%dma_wait3A] : memref<48xf32, #tpu.memory_space<vmem>> -> memref<16xf32, #tpu.memory_space<vmem>>
      %dma_wait3A_88 = tpu.memref_slice %arg3[%multiple_of3A_24] : memref<1536xf32, #tpu.memory_space<hbm>> -> memref<16xf32, #tpu.memory_space<hbm>>
      %dma_wait3A_89 = arith.constant 16 : i32
      %dma_wait3A_90 = tpu.memref_slice %arg13[%dma_wait3A_89] : memref<48xf32, #tpu.memory_space<vmem>> -> memref<16xf32, #tpu.memory_space<vmem>>
      %dma_wait3A_91 = tpu.memref_slice %arg3[%multiple_of3A_24] : memref<1536xf32, #tpu.memory_space<hbm>> -> memref<16xf32, #tpu.memory_space<hbm>>
      tpu.wait_dma2 semaphore(%run_scoped3A : memref<!tpu.dma_semaphore, #tpu.memory_space<semaphore_mem>>) src(%dma_wait3A_91 : memref<16xf32, #tpu.memory_space<hbm>>) dst(%dma_wait3A_90 : memref<16xf32, #tpu.memory_space<vmem>>)
      tpu.yield
    }) : () -> ()
    %mul3A_25 = arith.constant 16 : i32
    %mul3A_26 = arith.muli %add3A, %mul3A_25 : i32
    %add3A_27 = arith.constant 1024 : i32
    %add3A_28 = arith.addi %add3A_27, %mul3A_26 : i32
    %multiple_of3A_29 = tpu.assume_multiple %add3A_28, 8 : i32
    "tpu.region"() ({
      %run_scoped3A = tpu.sem_alloc : memref<!tpu.dma_semaphore, #tpu.memory_space<semaphore_mem>>
      %dma_start3A_81 = arith.constant 32 : i32
      %dma_start3A_82 = tpu.memref_slice %arg13[%dma_start3A_81] : memref<48xf32, #tpu.memory_space<vmem>> -> memref<16xf32, #tpu.memory_space<vmem>>
      %dma_start3A_83 = tpu.memref_slice %arg3[%multiple_of3A_29] : memref<1536xf32, #tpu.memory_space<hbm>> -> memref<16xf32, #tpu.memory_space<hbm>>
      %dma_start3A_84 = arith.constant 32 : i32
      %dma_start3A_85 = tpu.memref_slice %arg13[%dma_start3A_84] : memref<48xf32, #tpu.memory_space<vmem>> -> memref<16xf32, #tpu.memory_space<vmem>>
      %dma_start3A_86 = tpu.memref_slice %arg3[%multiple_of3A_29] : memref<1536xf32, #tpu.memory_space<hbm>> -> memref<16xf32, #tpu.memory_space<hbm>>
      tpu.enqueue_dma source(%dma_start3A_86 : memref<16xf32, #tpu.memory_space<hbm>>) target(%dma_start3A_85 : memref<16xf32, #tpu.memory_space<vmem>>) target_semaphore(%run_scoped3A : memref<!tpu.dma_semaphore, #tpu.memory_space<semaphore_mem>>)
      %dma_wait3A = arith.constant 32 : i32
      %dma_wait3A_87 = tpu.memref_slice %arg13[%dma_wait3A] : memref<48xf32, #tpu.memory_space<vmem>> -> memref<16xf32, #tpu.memory_space<vmem>>
      %dma_wait3A_88 = tpu.memref_slice %arg3[%multiple_of3A_29] : memref<1536xf32, #tpu.memory_space<hbm>> -> memref<16xf32, #tpu.memory_space<hbm>>
      %dma_wait3A_89 = arith.constant 32 : i32
      %dma_wait3A_90 = tpu.memref_slice %arg13[%dma_wait3A_89] : memref<48xf32, #tpu.memory_space<vmem>> -> memref<16xf32, #tpu.memory_space<vmem>>
      %dma_wait3A_91 = tpu.memref_slice %arg3[%multiple_of3A_29] : memref<1536xf32, #tpu.memory_space<hbm>> -> memref<16xf32, #tpu.memory_space<hbm>>
      tpu.wait_dma2 semaphore(%run_scoped3A : memref<!tpu.dma_semaphore, #tpu.memory_space<semaphore_mem>>) src(%dma_wait3A_91 : memref<16xf32, #tpu.memory_space<hbm>>) dst(%dma_wait3A_90 : memref<16xf32, #tpu.memory_space<vmem>>)
      tpu.yield
    }) : () -> ()
    %mul3A_30 = arith.constant 16 : i32
    %mul3A_31 = arith.muli %add3A, %mul3A_30 : i32
    %multiple_of3A_32 = tpu.assume_multiple %mul3A_31, 8 : i32
    "tpu.region"() ({
      %run_scoped3A = tpu.sem_alloc : memref<!tpu.dma_semaphore, #tpu.memory_space<semaphore_mem>>
      %dma_start3A_81 = arith.constant 0 : i32
      %dma_start3A_82 = tpu.memref_slice %arg14[%dma_start3A_81] : memref<32xi32, #tpu.memory_space<vmem>> -> memref<16xi32, #tpu.memory_space<vmem>>
      %dma_start3A_83 = tpu.memref_slice %arg4[%multiple_of3A_32] : memref<1024xi32, #tpu.memory_space<hbm>> -> memref<16xi32, #tpu.memory_space<hbm>>
      %dma_start3A_84 = arith.constant 0 : i32
      %dma_start3A_85 = tpu.memref_slice %arg14[%dma_start3A_84] : memref<32xi32, #tpu.memory_space<vmem>> -> memref<16xi32, #tpu.memory_space<vmem>>
      %dma_start3A_86 = tpu.memref_slice %arg4[%multiple_of3A_32] : memref<1024xi32, #tpu.memory_space<hbm>> -> memref<16xi32, #tpu.memory_space<hbm>>
      tpu.enqueue_dma source(%dma_start3A_86 : memref<16xi32, #tpu.memory_space<hbm>>) target(%dma_start3A_85 : memref<16xi32, #tpu.memory_space<vmem>>) target_semaphore(%run_scoped3A : memref<!tpu.dma_semaphore, #tpu.memory_space<semaphore_mem>>)
      %dma_wait3A = arith.constant 0 : i32
      %dma_wait3A_87 = tpu.memref_slice %arg14[%dma_wait3A] : memref<32xi32, #tpu.memory_space<vmem>> -> memref<16xi32, #tpu.memory_space<vmem>>
      %dma_wait3A_88 = tpu.memref_slice %arg4[%multiple_of3A_32] : memref<1024xi32, #tpu.memory_space<hbm>> -> memref<16xi32, #tpu.memory_space<hbm>>
      %dma_wait3A_89 = arith.constant 0 : i32
      %dma_wait3A_90 = tpu.memref_slice %arg14[%dma_wait3A_89] : memref<32xi32, #tpu.memory_space<vmem>> -> memref<16xi32, #tpu.memory_space<vmem>>
      %dma_wait3A_91 = tpu.memref_slice %arg4[%multiple_of3A_32] : memref<1024xi32, #tpu.memory_space<hbm>> -> memref<16xi32, #tpu.memory_space<hbm>>
      tpu.wait_dma2 semaphore(%run_scoped3A : memref<!tpu.dma_semaphore, #tpu.memory_space<semaphore_mem>>) src(%dma_wait3A_91 : memref<16xi32, #tpu.memory_space<hbm>>) dst(%dma_wait3A_90 : memref<16xi32, #tpu.memory_space<vmem>>)
      tpu.yield
    }) : () -> ()
    %mul3A_33 = arith.constant 16 : i32
    %mul3A_34 = arith.muli %add3A, %mul3A_33 : i32
    %add3A_35 = arith.constant 512 : i32
    %add3A_36 = arith.addi %add3A_35, %mul3A_34 : i32
    %multiple_of3A_37 = tpu.assume_multiple %add3A_36, 8 : i32
    "tpu.region"() ({
      %run_scoped3A = tpu.sem_alloc : memref<!tpu.dma_semaphore, #tpu.memory_space<semaphore_mem>>
      %dma_start3A_81 = arith.constant 16 : i32
      %dma_start3A_82 = tpu.memref_slice %arg14[%dma_start3A_81] : memref<32xi32, #tpu.memory_space<vmem>> -> memref<16xi32, #tpu.memory_space<vmem>>
      %dma_start3A_83 = tpu.memref_slice %arg4[%multiple_of3A_37] : memref<1024xi32, #tpu.memory_space<hbm>> -> memref<16xi32, #tpu.memory_space<hbm>>
      %dma_start3A_84 = arith.constant 16 : i32
      %dma_start3A_85 = tpu.memref_slice %arg14[%dma_start3A_84] : memref<32xi32, #tpu.memory_space<vmem>> -> memref<16xi32, #tpu.memory_space<vmem>>
      %dma_start3A_86 = tpu.memref_slice %arg4[%multiple_of3A_37] : memref<1024xi32, #tpu.memory_space<hbm>> -> memref<16xi32, #tpu.memory_space<hbm>>
      tpu.enqueue_dma source(%dma_start3A_86 : memref<16xi32, #tpu.memory_space<hbm>>) target(%dma_start3A_85 : memref<16xi32, #tpu.memory_space<vmem>>) target_semaphore(%run_scoped3A : memref<!tpu.dma_semaphore, #tpu.memory_space<semaphore_mem>>)
      %dma_wait3A = arith.constant 16 : i32
      %dma_wait3A_87 = tpu.memref_slice %arg14[%dma_wait3A] : memref<32xi32, #tpu.memory_space<vmem>> -> memref<16xi32, #tpu.memory_space<vmem>>
      %dma_wait3A_88 = tpu.memref_slice %arg4[%multiple_of3A_37] : memref<1024xi32, #tpu.memory_space<hbm>> -> memref<16xi32, #tpu.memory_space<hbm>>
      %dma_wait3A_89 = arith.constant 16 : i32
      %dma_wait3A_90 = tpu.memref_slice %arg14[%dma_wait3A_89] : memref<32xi32, #tpu.memory_space<vmem>> -> memref<16xi32, #tpu.memory_space<vmem>>
      %dma_wait3A_91 = tpu.memref_slice %arg4[%multiple_of3A_37] : memref<1024xi32, #tpu.memory_space<hbm>> -> memref<16xi32, #tpu.memory_space<hbm>>
      tpu.wait_dma2 semaphore(%run_scoped3A : memref<!tpu.dma_semaphore, #tpu.memory_space<semaphore_mem>>) src(%dma_wait3A_91 : memref<16xi32, #tpu.memory_space<hbm>>) dst(%dma_wait3A_90 : memref<16xi32, #tpu.memory_space<vmem>>)
      tpu.yield
    }) : () -> ()
    %get3A = arith.constant 0 : index
    %get3A_38 = tpu.vector_load %arg13[%get3A] {strides = array<i32>} : memref<48xf32, #tpu.memory_space<vmem>>, vector<16xf32>,
    %get3A_39 = arith.constant 16 : index
    %get3A_40 = tpu.vector_load %arg13[%get3A_39] {strides = array<i32>} : memref<48xf32, #tpu.memory_space<vmem>>, vector<16xf32>,
    %get3A_41 = arith.constant 32 : index
    %get3A_42 = tpu.vector_load %arg13[%get3A_41] {strides = array<i32>} : memref<48xf32, #tpu.memory_space<vmem>>, vector<16xf32>,
    %get3A_43 = arith.constant 0 : index
    %get3A_44 = tpu.vector_load %arg14[%get3A_43] {strides = array<i32>} : memref<32xi32, #tpu.memory_space<vmem>>, vector<16xi32>,
    %get3A_45 = arith.constant 16 : index
    %get3A_46 = tpu.vector_load %arg14[%get3A_45] {strides = array<i32>} : memref<32xi32, #tpu.memory_space<vmem>>, vector<16xi32>,
    %broadcast_in_dim3A_47 = arith.constant 0.000000e+00 : f32
    %broadcast_in_dim3A_48 = vector.broadcast %broadcast_in_dim3A_47 : f32 to vector<16xf32>
    %parallel_loop3A = arith.constant 0 : i32
    %parallel_loop3A_49 = arith.constant 100 : i32
    %parallel_loop3A_50 = arith.constant 1 : i32
    scf.for %parallel_loop3A_81 = %parallel_loop3A to %parallel_loop3A_49 step %parallel_loop3A_50  : i32 {
      %parallel_loop3A_82 = arith.constant 16 : i32
      %parallel_loop3A_83 = arith.muli %parallel_loop3A_81, %parallel_loop3A_82 : i32
      %parallel_loop3A_84 = arith.index_cast %parallel_loop3A_83 : i32 to index
      %parallel_loop3A_85 = tpu.vector_load %arg10[%parallel_loop3A_84] {strides = array<i32>} : memref<1600xf32, #tpu.memory_space<vmem>>, vector<16xf32>,
      tpu.vector_store %arg10[%parallel_loop3A_84], %broadcast_in_dim3A_48 {strides = array<i32>} : memref<1600xf32, #tpu.memory_space<vmem>>, vector<16xf32>,
    } {sc.loop_unroll_factor = 8 : i64, sc.parallel_access}
    %broadcast_in_dim3A_51 = arith.constant 0.000000e+00 : f32
    %broadcast_in_dim3A_52 = vector.broadcast %broadcast_in_dim3A_51 : f32 to vector<16xf32>
    %parallel_loop3A_53 = arith.constant 0 : i32
    %parallel_loop3A_54 = arith.constant 2048 : i32
    %parallel_loop3A_55 = arith.constant 1 : i32
    scf.for %parallel_loop3A_81 = %parallel_loop3A_53 to %parallel_loop3A_54 step %parallel_loop3A_55  : i32 {
      %parallel_loop3A_82 = arith.constant 16 : i32
      %parallel_loop3A_83 = arith.muli %parallel_loop3A_81, %parallel_loop3A_82 : i32
      %parallel_loop3A_84 = arith.index_cast %parallel_loop3A_83 : i32 to index
      %parallel_loop3A_85 = tpu.vector_load %arg11[%parallel_loop3A_84] {strides = array<i32>} : memref<32768xf32, #tpu.memory_space<vmem>>, vector<16xf32>,
      tpu.vector_store %arg11[%parallel_loop3A_84], %broadcast_in_dim3A_52 {strides = array<i32>} : memref<32768xf32, #tpu.memory_space<vmem>>, vector<16xf32>,
    } {sc.loop_unroll_factor = 8 : i64, sc.parallel_access}
    %multiple_of3A_56 = arith.constant 0 : i32
    %multiple_of3A_57 = tpu.assume_multiple %multiple_of3A_56, 8 : i32
    %dma_start3A = arith.constant 0 : i32
    %dma_start3A_58 = tpu.memref_slice %arg2[%shift_right_logical3A_1, %multiple_of3A_57, %and3A_2, %dma_start3A] : memref<4x8192x8x128xf32, #tpu.memory_space<hbm>> -> memref<1x256x1x128xf32, #tpu.memory_space<hbm>>
    %dma_start3A_59 = tpu.memref_squeeze %dma_start3A_58 : memref<1x256x1x128xf32, #tpu.memory_space<hbm>> -> memref<256x128xf32, #tpu.memory_space<hbm>>
    %dma_start3A_60 = arith.constant 0 : i32
    %dma_start3A_61 = tpu.memref_slice %arg2[%shift_right_logical3A_1, %multiple_of3A_57, %and3A_2, %dma_start3A_60] : memref<4x8192x8x128xf32, #tpu.memory_space<hbm>> -> memref<1x256x1x128xf32, #tpu.memory_space<hbm>>
    %dma_start3A_62 = tpu.memref_squeeze %dma_start3A_61 : memref<1x256x1x128xf32, #tpu.memory_space<hbm>> -> memref<256x128xf32, #tpu.memory_space<hbm>>
    tpu.enqueue_dma source(%dma_start3A_62 : memref<256x128xf32, #tpu.memory_space<hbm>>) target(%arg8 : memref<256x128xf32, #tpu.memory_space<vmem>>) target_semaphore(%arg15 : memref<!tpu.dma_semaphore, #tpu.memory_space<semaphore_mem>>)
    %multiple_of3A_63 = arith.constant 256 : i32
    %multiple_of3A_64 = tpu.assume_multiple %multiple_of3A_63, 8 : i32
    %dma_start3A_65 = arith.constant 0 : i32
    %dma_start3A_66 = tpu.memref_slice %arg2[%shift_right_logical3A_1, %multiple_of3A_64, %and3A_2, %dma_start3A_65] : memref<4x8192x8x128xf32, #tpu.memory_space<hbm>> -> memref<1x256x1x128xf32, #tpu.memory_space<hbm>>
    %dma_start3A_67 = tpu.memref_squeeze %dma_start3A_66 : memref<1x256x1x128xf32, #tpu.memory_space<hbm>> -> memref<256x128xf32, #tpu.memory_space<hbm>>
    %dma_start3A_68 = arith.constant 0 : i32
    %dma_start3A_69 = tpu.memref_slice %arg2[%shift_right_logical3A_1, %multiple_of3A_64, %and3A_2, %dma_start3A_68] : memref<4x8192x8x128xf32, #tpu.memory_space<hbm>> -> memref<1x256x1x128xf32, #tpu.memory_space<hbm>>
    %dma_start3A_70 = tpu.memref_squeeze %dma_start3A_69 : memref<1x256x1x128xf32, #tpu.memory_space<hbm>> -> memref<256x128xf32, #tpu.memory_space<hbm>>
    tpu.enqueue_dma source(%dma_start3A_70 : memref<256x128xf32, #tpu.memory_space<hbm>>) target(%arg9 : memref<256x128xf32, #tpu.memory_space<vmem>>) target_semaphore(%arg16 : memref<!tpu.dma_semaphore, #tpu.memory_space<semaphore_mem>>)
    %broadcast_in_dim3A_71 = arith.constant 0.000000e+00 : f32
    %broadcast_in_dim3A_72 = vector.broadcast %broadcast_in_dim3A_71 : f32 to vector<16xf32>
    %scan3A = arith.constant 0 : i32
    %scan3A_73 = arith.constant 16 : i32
    %scan3A_74 = arith.addi %scan3A, %scan3A_73 : i32
    %scan3A_75 = arith.constant 1 : i32
    %scan3A_76 = scf.for %scan3A_81 = %scan3A to %scan3A_74 step %scan3A_75 iter_args(%scan3A_82 = %broadcast_in_dim3A_72) -> (vector<16xf32>)  : i32 {
      %mul3A_83 = arith.constant 2 : i32
      %mul3A_84 = arith.muli %mul3A_83, %scan3A_81 : i32
      %add3A_85 = arith.constant 0 : i32
      %add3A_86 = arith.addi %mul3A_84, %add3A_85 : i32
      %dma_wait3A = arith.constant 0 : i32
      %dma_wait3A_87 = arith.constant 0 : i32
      %dma_wait3A_88 = arith.constant 0 : i32
      %dma_wait3A_89 = arith.constant 0 : i32
      %dma_wait3A_90 = tpu.memref_slice %arg2[%dma_wait3A, %dma_wait3A_88, %dma_wait3A_87, %dma_wait3A_89] : memref<4x8192x8x128xf32, #tpu.memory_space<hbm>> -> memref<1x256x1x128xf32, #tpu.memory_space<hbm>>
      %dma_wait3A_91 = tpu.memref_squeeze %dma_wait3A_90 : memref<1x256x1x128xf32, #tpu.memory_space<hbm>> -> memref<256x128xf32, #tpu.memory_space<hbm>>
      %dma_wait3A_92 = arith.constant 0 : i32
      %dma_wait3A_93 = arith.constant 0 : i32
      %dma_wait3A_94 = tpu.memref_slice %arg2[%dma_wait3A, %dma_wait3A_92, %dma_wait3A_87, %dma_wait3A_93] : memref<4x8192x8x128xf32, #tpu.memory_space<hbm>> -> memref<1x256x1x128xf32, #tpu.memory_space<hbm>>
      %dma_wait3A_95 = tpu.memref_squeeze %dma_wait3A_94 : memref<1x256x1x128xf32, #tpu.memory_space<hbm>> -> memref<256x128xf32, #tpu.memory_space<hbm>>
      tpu.wait_dma2 semaphore(%arg15 : memref<!tpu.dma_semaphore, #tpu.memory_space<semaphore_mem>>) src(%dma_wait3A_95 : memref<256x128xf32, #tpu.memory_space<hbm>>) dst(%arg8 : memref<256x128xf32, #tpu.memory_space<vmem>>)
      %broadcast_in_dim3A_96 = arith.constant 0.000000e+00 : f32
      %broadcast_in_dim3A_97 = vector.broadcast %broadcast_in_dim3A_96 : f32 to vector<16xf32>
      %parallel_loop3A_98 = arith.constant 0 : i32
      %parallel_loop3A_99 = arith.constant 2048 : i32
      %parallel_loop3A_100 = arith.constant 1 : i32
      %parallel_loop3A_101 = scf.for %parallel_loop3A_135 = %parallel_loop3A_98 to %parallel_loop3A_99 step %parallel_loop3A_100 iter_args(%parallel_loop3A_136 = %broadcast_in_dim3A_97) -> (vector<16xf32>)  : i32 {
        %parallel_loop3A_137 = arith.constant 3 : i32
        %parallel_loop3A_138 = arith.shrsi %parallel_loop3A_135, %parallel_loop3A_137 : i32
        %parallel_loop3A_139 = arith.constant 7 : i32
        %parallel_loop3A_140 = arith.andi %parallel_loop3A_135, %parallel_loop3A_139 : i32
        %parallel_loop3A_141 = arith.constant 16 : i32
        %parallel_loop3A_142 = arith.muli %parallel_loop3A_140, %parallel_loop3A_141 : i32
        %parallel_loop3A_143 = arith.index_cast %parallel_loop3A_138 : i32 to index
        %parallel_loop3A_144 = arith.index_cast %parallel_loop3A_142 : i32 to index
        %parallel_loop3A_145 = tpu.vector_load %arg8[%parallel_loop3A_143, %parallel_loop3A_144] {strides = array<i32>} : memref<256x128xf32, #tpu.memory_space<vmem>>, vector<16xf32>,
        %parallel_loop3A_146 = arith.subf %parallel_loop3A_145, %get3A_38 : vector<16xf32>
        %parallel_loop3A_147 = math.absf %parallel_loop3A_146 : vector<16xf32>
        %parallel_loop3A_148 = arith.addf %parallel_loop3A_136, %parallel_loop3A_147 : vector<16xf32>
        %parallel_loop3A_149 = arith.mulf %parallel_loop3A_145, %get3A_40 : vector<16xf32>
        %parallel_loop3A_150 = arith.addf %parallel_loop3A_149, %get3A_42 : vector<16xf32>
        %parallel_loop3A_151 = arith.fptosi %parallel_loop3A_150 : vector<16xf32> to vector<16xi32>
        %parallel_loop3A_152 = arith.minsi %parallel_loop3A_151, %broadcast_in_dim3A_13 : vector<16xi32>
        %parallel_loop3A_153 = arith.shli %parallel_loop3A_152, %broadcast_in_dim3A_15 : vector<16xi32>
        %parallel_loop3A_154 = arith.ori %parallel_loop3A_153, %iota3A : vector<16xi32>
        tpu.vector_store_idx %arg10[%parallel_loop3A_154], %broadcast_in_dim3A_3 {add = true} : memref<1600xf32, #tpu.memory_space<vmem>>[vector<16xi32>], vector<16xf32>,
        %parallel_loop3A_155 = tpu.bitcast %parallel_loop3A_145 : vector<16xf32> -> vector<16xi32>
        %parallel_loop3A_156 = arith.constant 31 : i32
        %parallel_loop3A_157 = vector.broadcast %parallel_loop3A_156 : i32 to vector<16xi32>
        %parallel_loop3A_158 = arith.shrsi %parallel_loop3A_155, %parallel_loop3A_157 : vector<16xi32>
        %parallel_loop3A_159 = arith.constant -2147483648 : i32
        %parallel_loop3A_160 = vector.broadcast %parallel_loop3A_159 : i32 to vector<16xi32>
        %parallel_loop3A_161 = arith.ori %parallel_loop3A_158, %parallel_loop3A_160 : vector<16xi32>
        %parallel_loop3A_162 = arith.xori %parallel_loop3A_155, %parallel_loop3A_161 : vector<16xi32>
        %parallel_loop3A_163 = arith.shrui %parallel_loop3A_162, %broadcast_in_dim3A_5 : vector<16xi32>
        %parallel_loop3A_164 = arith.shrui %parallel_loop3A_162, %broadcast_in_dim3A_7 : vector<16xi32>
        %parallel_loop3A_165 = arith.andi %parallel_loop3A_164, %broadcast_in_dim3A_9 : vector<16xi32>
        %parallel_loop3A_166 = arith.ori %parallel_loop3A_165, %iota3A : vector<16xi32>
        %parallel_loop3A_167 = arith.cmpi eq, %parallel_loop3A_163, %get3A_46 : vector<16xi32>
        %parallel_loop3A_168 = arith.select %parallel_loop3A_167, %broadcast_in_dim3A_17, %broadcast_in_dim3A_11 : vector<16xi1>, vector<16xi32>
        %parallel_loop3A_169 = arith.addi %parallel_loop3A_166, %parallel_loop3A_168 : vector<16xi32>
        %parallel_loop3A_170 = arith.cmpi eq, %parallel_loop3A_163, %get3A_44 : vector<16xi32>
        %parallel_loop3A_171 = arith.ori %parallel_loop3A_170, %parallel_loop3A_167 : vector<16xi1>
        tpu.vector_store_idx %arg11[%parallel_loop3A_169], %broadcast_in_dim3A_3 masked %parallel_loop3A_171 {add = true} : memref<32768xf32, #tpu.memory_space<vmem>>[vector<16xi32>], vector<16xf32>, vector<16xi1>
        scf.yield %parallel_loop3A_148 : vector<16xf32>
      } {sc.loop_unroll_factor = 8 : i64, sc.parallel_access}
      %add3A_102 = arith.addf %scan3A_82, %parallel_loop3A_101 : vector<16xf32>
      %add3A_103 = arith.constant 2 : i32
      %add3A_104 = arith.addi %add3A_86, %add3A_103 : i32
      %lt3A = arith.constant 32 : i32
      %lt3A_105 = arith.cmpi slt, %add3A_104, %lt3A : i32
      %convert_element_type3A = arith.extui %lt3A_105 : i1 to i32
      %cond3A = arith.constant 0 : i32
      %cond3A_106 = arith.cmpi ne, %convert_element_type3A, %cond3A : i32
      scf.if %cond3A_106 {
        %add3A_135 = arith.constant 2 : i32
        %add3A_136 = arith.addi %add3A_86, %add3A_135 : i32
        %mul3A_137 = arith.constant 256 : i32
        %mul3A_138 = arith.muli %add3A_136, %mul3A_137 : i32
        %multiple_of3A_139 = tpu.assume_multiple %mul3A_138, 8 : i32
        %dma_start3A_140 = arith.constant 0 : i32
        %dma_start3A_141 = tpu.memref_slice %arg2[%shift_right_logical3A_1, %multiple_of3A_139, %and3A_2, %dma_start3A_140] : memref<4x8192x8x128xf32, #tpu.memory_space<hbm>> -> memref<1x256x1x128xf32, #tpu.memory_space<hbm>>
        %dma_start3A_142 = tpu.memref_squeeze %dma_start3A_141 : memref<1x256x1x128xf32, #tpu.memory_space<hbm>> -> memref<256x128xf32, #tpu.memory_space<hbm>>
        %dma_start3A_143 = arith.constant 0 : i32
        %dma_start3A_144 = tpu.memref_slice %arg2[%shift_right_logical3A_1, %multiple_of3A_139, %and3A_2, %dma_start3A_143] : memref<4x8192x8x128xf32, #tpu.memory_space<hbm>> -> memref<1x256x1x128xf32, #tpu.memory_space<hbm>>
        %dma_start3A_145 = tpu.memref_squeeze %dma_start3A_144 : memref<1x256x1x128xf32, #tpu.memory_space<hbm>> -> memref<256x128xf32, #tpu.memory_space<hbm>>
        tpu.enqueue_dma source(%dma_start3A_145 : memref<256x128xf32, #tpu.memory_space<hbm>>) target(%arg8 : memref<256x128xf32, #tpu.memory_space<vmem>>) target_semaphore(%arg15 : memref<!tpu.dma_semaphore, #tpu.memory_space<semaphore_mem>>)
      } else {
      }
      %mul3A_107 = arith.constant 2 : i32
      %mul3A_108 = arith.muli %mul3A_107, %scan3A_81 : i32
      %add3A_109 = arith.constant 1 : i32
      %add3A_110 = arith.addi %mul3A_108, %add3A_109 : i32
      %dma_wait3A_111 = arith.constant 0 : i32
      %dma_wait3A_112 = arith.constant 0 : i32
      %dma_wait3A_113 = arith.constant 0 : i32
      %dma_wait3A_114 = arith.constant 0 : i32
      %dma_wait3A_115 = tpu.memref_slice %arg2[%dma_wait3A_111, %dma_wait3A_113, %dma_wait3A_112, %dma_wait3A_114] : memref<4x8192x8x128xf32, #tpu.memory_space<hbm>> -> memref<1x256x1x128xf32, #tpu.memory_space<hbm>>
      %dma_wait3A_116 = tpu.memref_squeeze %dma_wait3A_115 : memref<1x256x1x128xf32, #tpu.memory_space<hbm>> -> memref<256x128xf32, #tpu.memory_space<hbm>>
      %dma_wait3A_117 = arith.constant 0 : i32
      %dma_wait3A_118 = arith.constant 0 : i32
      %dma_wait3A_119 = tpu.memref_slice %arg2[%dma_wait3A_111, %dma_wait3A_117, %dma_wait3A_112, %dma_wait3A_118] : memref<4x8192x8x128xf32, #tpu.memory_space<hbm>> -> memref<1x256x1x128xf32, #tpu.memory_space<hbm>>
      %dma_wait3A_120 = tpu.memref_squeeze %dma_wait3A_119 : memref<1x256x1x128xf32, #tpu.memory_space<hbm>> -> memref<256x128xf32, #tpu.memory_space<hbm>>
      tpu.wait_dma2 semaphore(%arg16 : memref<!tpu.dma_semaphore, #tpu.memory_space<semaphore_mem>>) src(%dma_wait3A_120 : memref<256x128xf32, #tpu.memory_space<hbm>>) dst(%arg9 : memref<256x128xf32, #tpu.memory_space<vmem>>)
      %broadcast_in_dim3A_121 = arith.constant 0.000000e+00 : f32
      %broadcast_in_dim3A_122 = vector.broadcast %broadcast_in_dim3A_121 : f32 to vector<16xf32>
      %parallel_loop3A_123 = arith.constant 0 : i32
      %parallel_loop3A_124 = arith.constant 2048 : i32
      %parallel_loop3A_125 = arith.constant 1 : i32
      %parallel_loop3A_126 = scf.for %parallel_loop3A_135 = %parallel_loop3A_123 to %parallel_loop3A_124 step %parallel_loop3A_125 iter_args(%parallel_loop3A_136 = %broadcast_in_dim3A_122) -> (vector<16xf32>)  : i32 {
        %parallel_loop3A_137 = arith.constant 3 : i32
        %parallel_loop3A_138 = arith.shrsi %parallel_loop3A_135, %parallel_loop3A_137 : i32
        %parallel_loop3A_139 = arith.constant 7 : i32
        %parallel_loop3A_140 = arith.andi %parallel_loop3A_135, %parallel_loop3A_139 : i32
        %parallel_loop3A_141 = arith.constant 16 : i32
        %parallel_loop3A_142 = arith.muli %parallel_loop3A_140, %parallel_loop3A_141 : i32
        %parallel_loop3A_143 = arith.index_cast %parallel_loop3A_138 : i32 to index
        %parallel_loop3A_144 = arith.index_cast %parallel_loop3A_142 : i32 to index
        %parallel_loop3A_145 = tpu.vector_load %arg9[%parallel_loop3A_143, %parallel_loop3A_144] {strides = array<i32>} : memref<256x128xf32, #tpu.memory_space<vmem>>, vector<16xf32>,
        %parallel_loop3A_146 = arith.subf %parallel_loop3A_145, %get3A_38 : vector<16xf32>
        %parallel_loop3A_147 = math.absf %parallel_loop3A_146 : vector<16xf32>
        %parallel_loop3A_148 = arith.addf %parallel_loop3A_136, %parallel_loop3A_147 : vector<16xf32>
        %parallel_loop3A_149 = arith.mulf %parallel_loop3A_145, %get3A_40 : vector<16xf32>
        %parallel_loop3A_150 = arith.addf %parallel_loop3A_149, %get3A_42 : vector<16xf32>
        %parallel_loop3A_151 = arith.fptosi %parallel_loop3A_150 : vector<16xf32> to vector<16xi32>
        %parallel_loop3A_152 = arith.minsi %parallel_loop3A_151, %broadcast_in_dim3A_13 : vector<16xi32>
        %parallel_loop3A_153 = arith.shli %parallel_loop3A_152, %broadcast_in_dim3A_15 : vector<16xi32>
        %parallel_loop3A_154 = arith.ori %parallel_loop3A_153, %iota3A : vector<16xi32>
        tpu.vector_store_idx %arg10[%parallel_loop3A_154], %broadcast_in_dim3A_3 {add = true} : memref<1600xf32, #tpu.memory_space<vmem>>[vector<16xi32>], vector<16xf32>,
        %parallel_loop3A_155 = tpu.bitcast %parallel_loop3A_145 : vector<16xf32> -> vector<16xi32>
        %parallel_loop3A_156 = arith.constant 31 : i32
        %parallel_loop3A_157 = vector.broadcast %parallel_loop3A_156 : i32 to vector<16xi32>
        %parallel_loop3A_158 = arith.shrsi %parallel_loop3A_155, %parallel_loop3A_157 : vector<16xi32>
        %parallel_loop3A_159 = arith.constant -2147483648 : i32
        %parallel_loop3A_160 = vector.broadcast %parallel_loop3A_159 : i32 to vector<16xi32>
        %parallel_loop3A_161 = arith.ori %parallel_loop3A_158, %parallel_loop3A_160 : vector<16xi32>
        %parallel_loop3A_162 = arith.xori %parallel_loop3A_155, %parallel_loop3A_161 : vector<16xi32>
        %parallel_loop3A_163 = arith.shrui %parallel_loop3A_162, %broadcast_in_dim3A_5 : vector<16xi32>
        %parallel_loop3A_164 = arith.shrui %parallel_loop3A_162, %broadcast_in_dim3A_7 : vector<16xi32>
        %parallel_loop3A_165 = arith.andi %parallel_loop3A_164, %broadcast_in_dim3A_9 : vector<16xi32>
        %parallel_loop3A_166 = arith.ori %parallel_loop3A_165, %iota3A : vector<16xi32>
        %parallel_loop3A_167 = arith.cmpi eq, %parallel_loop3A_163, %get3A_46 : vector<16xi32>
        %parallel_loop3A_168 = arith.select %parallel_loop3A_167, %broadcast_in_dim3A_17, %broadcast_in_dim3A_11 : vector<16xi1>, vector<16xi32>
        %parallel_loop3A_169 = arith.addi %parallel_loop3A_166, %parallel_loop3A_168 : vector<16xi32>
        %parallel_loop3A_170 = arith.cmpi eq, %parallel_loop3A_163, %get3A_44 : vector<16xi32>
        %parallel_loop3A_171 = arith.ori %parallel_loop3A_170, %parallel_loop3A_167 : vector<16xi1>
        tpu.vector_store_idx %arg11[%parallel_loop3A_169], %broadcast_in_dim3A_3 masked %parallel_loop3A_171 {add = true} : memref<32768xf32, #tpu.memory_space<vmem>>[vector<16xi32>], vector<16xf32>, vector<16xi1>
        scf.yield %parallel_loop3A_148 : vector<16xf32>
      } {sc.loop_unroll_factor = 8 : i64, sc.parallel_access}
      %add3A_127 = arith.addf %add3A_102, %parallel_loop3A_126 : vector<16xf32>
      %add3A_128 = arith.constant 2 : i32
      %add3A_129 = arith.addi %add3A_110, %add3A_128 : i32
      %lt3A_130 = arith.constant 32 : i32
      %lt3A_131 = arith.cmpi slt, %add3A_129, %lt3A_130 : i32
      %convert_element_type3A_132 = arith.extui %lt3A_131 : i1 to i32
      %cond3A_133 = arith.constant 0 : i32
      %cond3A_134 = arith.cmpi ne, %convert_element_type3A_132, %cond3A_133 : i32
      scf.if %cond3A_134 {
        %add3A_135 = arith.constant 2 : i32
        %add3A_136 = arith.addi %add3A_110, %add3A_135 : i32
        %mul3A_137 = arith.constant 256 : i32
        %mul3A_138 = arith.muli %add3A_136, %mul3A_137 : i32
        %multiple_of3A_139 = tpu.assume_multiple %mul3A_138, 8 : i32
        %dma_start3A_140 = arith.constant 0 : i32
        %dma_start3A_141 = tpu.memref_slice %arg2[%shift_right_logical3A_1, %multiple_of3A_139, %and3A_2, %dma_start3A_140] : memref<4x8192x8x128xf32, #tpu.memory_space<hbm>> -> memref<1x256x1x128xf32, #tpu.memory_space<hbm>>
        %dma_start3A_142 = tpu.memref_squeeze %dma_start3A_141 : memref<1x256x1x128xf32, #tpu.memory_space<hbm>> -> memref<256x128xf32, #tpu.memory_space<hbm>>
        %dma_start3A_143 = arith.constant 0 : i32
        %dma_start3A_144 = tpu.memref_slice %arg2[%shift_right_logical3A_1, %multiple_of3A_139, %and3A_2, %dma_start3A_143] : memref<4x8192x8x128xf32, #tpu.memory_space<hbm>> -> memref<1x256x1x128xf32, #tpu.memory_space<hbm>>
        %dma_start3A_145 = tpu.memref_squeeze %dma_start3A_144 : memref<1x256x1x128xf32, #tpu.memory_space<hbm>> -> memref<256x128xf32, #tpu.memory_space<hbm>>
        tpu.enqueue_dma source(%dma_start3A_145 : memref<256x128xf32, #tpu.memory_space<hbm>>) target(%arg9 : memref<256x128xf32, #tpu.memory_space<vmem>>) target_semaphore(%arg16 : memref<!tpu.dma_semaphore, #tpu.memory_space<semaphore_mem>>)
      } else {
      }
      scf.yield %add3A_127 : vector<16xf32>
    }
    %scan3A_77 = arith.constant 16 : i32
    %swap3A = arith.constant 0 : index
    %swap3A_78 = tpu.vector_load %arg12[%swap3A] {strides = array<i32>} : memref<32xf32, #tpu.memory_space<vmem>>, vector<16xf32>,
    tpu.vector_store %arg12[%swap3A], %scan3A_76 {strides = array<i32>} : memref<32xf32, #tpu.memory_space<vmem>>, vector<16xf32>,
    %swap3A_79 = arith.constant 16 : index
    %swap3A_80 = tpu.vector_load %arg12[%swap3A_79] {strides = array<i32>} : memref<32xf32, #tpu.memory_space<vmem>>, vector<16xf32>,
    tpu.vector_store %arg12[%swap3A_79], %broadcast_in_dim3A_72 {strides = array<i32>} : memref<32xf32, #tpu.memory_space<vmem>>, vector<16xf32>,
    "tpu.region"() ({
      %run_scoped3A = tpu.sem_alloc : memref<!tpu.dma_semaphore, #tpu.memory_space<semaphore_mem>>
      %dma_start3A_81 = arith.constant 0 : i32
      %dma_start3A_82 = tpu.memref_slice %arg7[%add3A, %dma_start3A_81] : memref<32x32xf32, #tpu.memory_space<hbm>> -> memref<1x32xf32, #tpu.memory_space<hbm>>
      %dma_start3A_83 = tpu.memref_squeeze %dma_start3A_82 : memref<1x32xf32, #tpu.memory_space<hbm>> -> memref<32xf32, #tpu.memory_space<hbm>>
      %dma_start3A_84 = arith.constant 0 : i32
      %dma_start3A_85 = tpu.memref_slice %arg7[%add3A, %dma_start3A_84] : memref<32x32xf32, #tpu.memory_space<hbm>> -> memref<1x32xf32, #tpu.memory_space<hbm>>
      %dma_start3A_86 = tpu.memref_squeeze %dma_start3A_85 : memref<1x32xf32, #tpu.memory_space<hbm>> -> memref<32xf32, #tpu.memory_space<hbm>>
      tpu.enqueue_dma source(%arg12 : memref<32xf32, #tpu.memory_space<vmem>>) target(%dma_start3A_86 : memref<32xf32, #tpu.memory_space<hbm>>) target_semaphore(%run_scoped3A : memref<!tpu.dma_semaphore, #tpu.memory_space<semaphore_mem>>)
      %dma_wait3A = arith.constant 0 : i32
      %dma_wait3A_87 = tpu.memref_slice %arg7[%add3A, %dma_wait3A] : memref<32x32xf32, #tpu.memory_space<hbm>> -> memref<1x32xf32, #tpu.memory_space<hbm>>
      %dma_wait3A_88 = tpu.memref_squeeze %dma_wait3A_87 : memref<1x32xf32, #tpu.memory_space<hbm>> -> memref<32xf32, #tpu.memory_space<hbm>>
      %dma_wait3A_89 = arith.constant 0 : i32
      %dma_wait3A_90 = tpu.memref_slice %arg7[%add3A, %dma_wait3A_89] : memref<32x32xf32, #tpu.memory_space<hbm>> -> memref<1x32xf32, #tpu.memory_space<hbm>>
      %dma_wait3A_91 = tpu.memref_squeeze %dma_wait3A_90 : memref<1x32xf32, #tpu.memory_space<hbm>> -> memref<32xf32, #tpu.memory_space<hbm>>
      tpu.wait_dma2 semaphore(%run_scoped3A : memref<!tpu.dma_semaphore, #tpu.memory_space<semaphore_mem>>) src(%arg12 : memref<32xf32, #tpu.memory_space<vmem>>) dst(%dma_wait3A_91 : memref<32xf32, #tpu.memory_space<hbm>>)
      tpu.yield
    }) : () -> ()
    "tpu.region"() ({
      %run_scoped3A = tpu.sem_alloc : memref<!tpu.dma_semaphore, #tpu.memory_space<semaphore_mem>>
      %dma_start3A_81 = arith.constant 0 : i32
      %dma_start3A_82 = tpu.memref_slice %arg5[%add3A, %dma_start3A_81] : memref<32x1600xf32, #tpu.memory_space<hbm>> -> memref<1x1600xf32, #tpu.memory_space<hbm>>
      %dma_start3A_83 = tpu.memref_squeeze %dma_start3A_82 : memref<1x1600xf32, #tpu.memory_space<hbm>> -> memref<1600xf32, #tpu.memory_space<hbm>>
      %dma_start3A_84 = arith.constant 0 : i32
      %dma_start3A_85 = tpu.memref_slice %arg5[%add3A, %dma_start3A_84] : memref<32x1600xf32, #tpu.memory_space<hbm>> -> memref<1x1600xf32, #tpu.memory_space<hbm>>
      %dma_start3A_86 = tpu.memref_squeeze %dma_start3A_85 : memref<1x1600xf32, #tpu.memory_space<hbm>> -> memref<1600xf32, #tpu.memory_space<hbm>>
      tpu.enqueue_dma source(%arg10 : memref<1600xf32, #tpu.memory_space<vmem>>) target(%dma_start3A_86 : memref<1600xf32, #tpu.memory_space<hbm>>) target_semaphore(%run_scoped3A : memref<!tpu.dma_semaphore, #tpu.memory_space<semaphore_mem>>)
      %dma_wait3A = arith.constant 0 : i32
      %dma_wait3A_87 = tpu.memref_slice %arg5[%add3A, %dma_wait3A] : memref<32x1600xf32, #tpu.memory_space<hbm>> -> memref<1x1600xf32, #tpu.memory_space<hbm>>
      %dma_wait3A_88 = tpu.memref_squeeze %dma_wait3A_87 : memref<1x1600xf32, #tpu.memory_space<hbm>> -> memref<1600xf32, #tpu.memory_space<hbm>>
      %dma_wait3A_89 = arith.constant 0 : i32
      %dma_wait3A_90 = tpu.memref_slice %arg5[%add3A, %dma_wait3A_89] : memref<32x1600xf32, #tpu.memory_space<hbm>> -> memref<1x1600xf32, #tpu.memory_space<hbm>>
      %dma_wait3A_91 = tpu.memref_squeeze %dma_wait3A_90 : memref<1x1600xf32, #tpu.memory_space<hbm>> -> memref<1600xf32, #tpu.memory_space<hbm>>
      tpu.wait_dma2 semaphore(%run_scoped3A : memref<!tpu.dma_semaphore, #tpu.memory_space<semaphore_mem>>) src(%arg10 : memref<1600xf32, #tpu.memory_space<vmem>>) dst(%dma_wait3A_91 : memref<1600xf32, #tpu.memory_space<hbm>>)
      tpu.yield
    }) : () -> ()
    "tpu.region"() ({
      %run_scoped3A = tpu.sem_alloc : memref<!tpu.dma_semaphore, #tpu.memory_space<semaphore_mem>>
      %dma_start3A_81 = arith.constant 0 : i32
      %dma_start3A_82 = tpu.memref_slice %arg6[%add3A, %dma_start3A_81] : memref<32x32768xf32, #tpu.memory_space<hbm>> -> memref<1x32768xf32, #tpu.memory_space<hbm>>
      %dma_start3A_83 = tpu.memref_squeeze %dma_start3A_82 : memref<1x32768xf32, #tpu.memory_space<hbm>> -> memref<32768xf32, #tpu.memory_space<hbm>>
      %dma_start3A_84 = arith.constant 0 : i32
      %dma_start3A_85 = tpu.memref_slice %arg6[%add3A, %dma_start3A_84] : memref<32x32768xf32, #tpu.memory_space<hbm>> -> memref<1x32768xf32, #tpu.memory_space<hbm>>
      %dma_start3A_86 = tpu.memref_squeeze %dma_start3A_85 : memref<1x32768xf32, #tpu.memory_space<hbm>> -> memref<32768xf32, #tpu.memory_space<hbm>>
      tpu.enqueue_dma source(%arg11 : memref<32768xf32, #tpu.memory_space<vmem>>) target(%dma_start3A_86 : memref<32768xf32, #tpu.memory_space<hbm>>) target_semaphore(%run_scoped3A : memref<!tpu.dma_semaphore, #tpu.memory_space<semaphore_mem>>)
      %dma_wait3A = arith.constant 0 : i32
      %dma_wait3A_87 = tpu.memref_slice %arg6[%add3A, %dma_wait3A] : memref<32x32768xf32, #tpu.memory_space<hbm>> -> memref<1x32768xf32, #tpu.memory_space<hbm>>
      %dma_wait3A_88 = tpu.memref_squeeze %dma_wait3A_87 : memref<1x32768xf32, #tpu.memory_space<hbm>> -> memref<32768xf32, #tpu.memory_space<hbm>>
      %dma_wait3A_89 = arith.constant 0 : i32
      %dma_wait3A_90 = tpu.memref_slice %arg6[%add3A, %dma_wait3A_89] : memref<32x32768xf32, #tpu.memory_space<hbm>> -> memref<1x32768xf32, #tpu.memory_space<hbm>>
      %dma_wait3A_91 = tpu.memref_squeeze %dma_wait3A_90 : memref<1x32768xf32, #tpu.memory_space<hbm>> -> memref<32768xf32, #tpu.memory_space<hbm>>
      tpu.wait_dma2 semaphore(%run_scoped3A : memref<!tpu.dma_semaphore, #tpu.memory_space<semaphore_mem>>) src(%arg11 : memref<32768xf32, #tpu.memory_space<vmem>>) dst(%dma_wait3A_91 : memref<32768xf32, #tpu.memory_space<hbm>>)
      tpu.yield
    }) : () -> ()
    return
  }
}

#map = affine_map<(d0, d1) -> (0, 0, 0, 0)>
#map1 = affine_map<(d0, d1) -> (0, 0)>
module attributes {stable_mosaic.version = 14 : i64} {
  func.func @_pass1(%arg0: i32, %arg1: i32, %arg2: memref<4x8192x8x128xf32, #tpu.memory_space<hbm>>, %arg3: memref<32x32768xf32, #tpu.memory_space<hbm>>, %arg4: memref<32x80xf32, #tpu.memory_space<hbm>>, %arg5: memref<256x128xf32, #tpu.memory_space<vmem>>, %arg6: memref<256x128xf32, #tpu.memory_space<vmem>>, %arg7: memref<32768xf32, #tpu.memory_space<vmem>>, %arg8: memref<80xf32, #tpu.memory_space<vmem>>, %arg9: memref<!tpu.dma_semaphore, #tpu.memory_space<semaphore_mem>>, %arg10: memref<!tpu.dma_semaphore, #tpu.memory_space<semaphore_mem>>) attributes {dimension_semantics = [#tpu.dimension_semantics<core_parallel>, #tpu.dimension_semantics<subcore_parallel>], iteration_bounds = array<i64: 2, 16>, scalar_prefetch = 0 : i64, scratch_operands = 6 : i64, tpu.core_type = #tpu.core_type<sc_vector_subcore>, window_params = [{transform_indices = #map}, {transform_indices = #map1}, {transform_indices = #map1}]} {
    %mul3A = arith.constant 16 : i32
    %mul3A_0 = arith.muli %arg0, %mul3A : i32
    %add3A = arith.addi %mul3A_0, %arg1 : i32
    %shift_right_logical3A = arith.constant 3 : i32
    %shift_right_logical3A_1 = arith.shrui %add3A, %shift_right_logical3A : i32
    %and3A = arith.constant 7 : i32
    %and3A_2 = arith.andi %add3A, %and3A : i32
    %iota3A = tpu.iota {dimensions = array<i32: 0>} : vector<16xi32>
    %broadcast_in_dim3A = arith.constant 1.000000e+00 : f32
    %broadcast_in_dim3A_3 = vector.broadcast %broadcast_in_dim3A : f32 to vector<16xf32>
    %broadcast_in_dim3A_4 = arith.constant 17 : i32
    %broadcast_in_dim3A_5 = vector.broadcast %broadcast_in_dim3A_4 : i32 to vector<16xi32>
    %broadcast_in_dim3A_6 = arith.constant 32752 : i32
    %broadcast_in_dim3A_7 = vector.broadcast %broadcast_in_dim3A_6 : i32 to vector<16xi32>
    %broadcast_in_dim3A_8 = arith.constant 0.000000e+00 : f32
    %broadcast_in_dim3A_9 = vector.broadcast %broadcast_in_dim3A_8 : f32 to vector<16xf32>
    %parallel_loop3A = arith.constant 0 : i32
    %parallel_loop3A_10 = arith.constant 2048 : i32
    %parallel_loop3A_11 = arith.constant 1 : i32
    scf.for %parallel_loop3A_46 = %parallel_loop3A to %parallel_loop3A_10 step %parallel_loop3A_11  : i32 {
      %parallel_loop3A_47 = arith.constant 16 : i32
      %parallel_loop3A_48 = arith.muli %parallel_loop3A_46, %parallel_loop3A_47 : i32
      %parallel_loop3A_49 = arith.index_cast %parallel_loop3A_48 : i32 to index
      %parallel_loop3A_50 = tpu.vector_load %arg7[%parallel_loop3A_49] {strides = array<i32>} : memref<32768xf32, #tpu.memory_space<vmem>>, vector<16xf32>,
      tpu.vector_store %arg7[%parallel_loop3A_49], %broadcast_in_dim3A_9 {strides = array<i32>} : memref<32768xf32, #tpu.memory_space<vmem>>, vector<16xf32>,
    } {sc.loop_unroll_factor = 8 : i64, sc.parallel_access}
    %multiple_of3A = arith.constant 0 : i32
    %multiple_of3A_12 = tpu.assume_multiple %multiple_of3A, 8 : i32
    %dma_start3A = arith.constant 0 : i32
    %dma_start3A_13 = tpu.memref_slice %arg2[%shift_right_logical3A_1, %multiple_of3A_12, %and3A_2, %dma_start3A] : memref<4x8192x8x128xf32, #tpu.memory_space<hbm>> -> memref<1x256x1x128xf32, #tpu.memory_space<hbm>>
    %dma_start3A_14 = tpu.memref_squeeze %dma_start3A_13 : memref<1x256x1x128xf32, #tpu.memory_space<hbm>> -> memref<256x128xf32, #tpu.memory_space<hbm>>
    %dma_start3A_15 = arith.constant 0 : i32
    %dma_start3A_16 = tpu.memref_slice %arg2[%shift_right_logical3A_1, %multiple_of3A_12, %and3A_2, %dma_start3A_15] : memref<4x8192x8x128xf32, #tpu.memory_space<hbm>> -> memref<1x256x1x128xf32, #tpu.memory_space<hbm>>
    %dma_start3A_17 = tpu.memref_squeeze %dma_start3A_16 : memref<1x256x1x128xf32, #tpu.memory_space<hbm>> -> memref<256x128xf32, #tpu.memory_space<hbm>>
    tpu.enqueue_dma source(%dma_start3A_17 : memref<256x128xf32, #tpu.memory_space<hbm>>) target(%arg5 : memref<256x128xf32, #tpu.memory_space<vmem>>) target_semaphore(%arg9 : memref<!tpu.dma_semaphore, #tpu.memory_space<semaphore_mem>>)
    %multiple_of3A_18 = arith.constant 256 : i32
    %multiple_of3A_19 = tpu.assume_multiple %multiple_of3A_18, 8 : i32
    %dma_start3A_20 = arith.constant 0 : i32
    %dma_start3A_21 = tpu.memref_slice %arg2[%shift_right_logical3A_1, %multiple_of3A_19, %and3A_2, %dma_start3A_20] : memref<4x8192x8x128xf32, #tpu.memory_space<hbm>> -> memref<1x256x1x128xf32, #tpu.memory_space<hbm>>
    %dma_start3A_22 = tpu.memref_squeeze %dma_start3A_21 : memref<1x256x1x128xf32, #tpu.memory_space<hbm>> -> memref<256x128xf32, #tpu.memory_space<hbm>>
    %dma_start3A_23 = arith.constant 0 : i32
    %dma_start3A_24 = tpu.memref_slice %arg2[%shift_right_logical3A_1, %multiple_of3A_19, %and3A_2, %dma_start3A_23] : memref<4x8192x8x128xf32, #tpu.memory_space<hbm>> -> memref<1x256x1x128xf32, #tpu.memory_space<hbm>>
    %dma_start3A_25 = tpu.memref_squeeze %dma_start3A_24 : memref<1x256x1x128xf32, #tpu.memory_space<hbm>> -> memref<256x128xf32, #tpu.memory_space<hbm>>
    tpu.enqueue_dma source(%dma_start3A_25 : memref<256x128xf32, #tpu.memory_space<hbm>>) target(%arg6 : memref<256x128xf32, #tpu.memory_space<vmem>>) target_semaphore(%arg10 : memref<!tpu.dma_semaphore, #tpu.memory_space<semaphore_mem>>)
    %broadcast_in_dim3A_26 = arith.constant 0.000000e+00 : f32
    %broadcast_in_dim3A_27 = vector.broadcast %broadcast_in_dim3A_26 : f32 to vector<16xf32>
    %broadcast_in_dim3A_28 = arith.constant 0x7F800000 : f32
    %broadcast_in_dim3A_29 = vector.broadcast %broadcast_in_dim3A_28 : f32 to vector<16xf32>
    %broadcast_in_dim3A_30 = arith.constant 0xFF800000 : f32
    %broadcast_in_dim3A_31 = vector.broadcast %broadcast_in_dim3A_30 : f32 to vector<16xf32>
    %scan3A = arith.constant 0 : i32
    %scan3A_32 = arith.constant 16 : i32
    %scan3A_33 = arith.addi %scan3A, %scan3A_32 : i32
    %scan3A_34 = arith.constant 1 : i32
    %scan3A_35:5 = scf.for %scan3A_46 = %scan3A to %scan3A_33 step %scan3A_34 iter_args(%scan3A_47 = %broadcast_in_dim3A_27, %scan3A_48 = %broadcast_in_dim3A_27, %scan3A_49 = %broadcast_in_dim3A_27, %scan3A_50 = %broadcast_in_dim3A_29, %scan3A_51 = %broadcast_in_dim3A_31) -> (vector<16xf32>, vector<16xf32>, vector<16xf32>, vector<16xf32>, vector<16xf32>)  : i32 {
      %mul3A_52 = arith.constant 2 : i32
      %mul3A_53 = arith.muli %mul3A_52, %scan3A_46 : i32
      %add3A_54 = arith.constant 0 : i32
      %add3A_55 = arith.addi %mul3A_53, %add3A_54 : i32
      %dma_wait3A = arith.constant 0 : i32
      %dma_wait3A_56 = arith.constant 0 : i32
      %dma_wait3A_57 = arith.constant 0 : i32
      %dma_wait3A_58 = arith.constant 0 : i32
      %dma_wait3A_59 = tpu.memref_slice %arg2[%dma_wait3A, %dma_wait3A_57, %dma_wait3A_56, %dma_wait3A_58] : memref<4x8192x8x128xf32, #tpu.memory_space<hbm>> -> memref<1x256x1x128xf32, #tpu.memory_space<hbm>>
      %dma_wait3A_60 = tpu.memref_squeeze %dma_wait3A_59 : memref<1x256x1x128xf32, #tpu.memory_space<hbm>> -> memref<256x128xf32, #tpu.memory_space<hbm>>
      %dma_wait3A_61 = arith.constant 0 : i32
      %dma_wait3A_62 = arith.constant 0 : i32
      %dma_wait3A_63 = tpu.memref_slice %arg2[%dma_wait3A, %dma_wait3A_61, %dma_wait3A_56, %dma_wait3A_62] : memref<4x8192x8x128xf32, #tpu.memory_space<hbm>> -> memref<1x256x1x128xf32, #tpu.memory_space<hbm>>
      %dma_wait3A_64 = tpu.memref_squeeze %dma_wait3A_63 : memref<1x256x1x128xf32, #tpu.memory_space<hbm>> -> memref<256x128xf32, #tpu.memory_space<hbm>>
      tpu.wait_dma2 semaphore(%arg9 : memref<!tpu.dma_semaphore, #tpu.memory_space<semaphore_mem>>) src(%dma_wait3A_64 : memref<256x128xf32, #tpu.memory_space<hbm>>) dst(%arg5 : memref<256x128xf32, #tpu.memory_space<vmem>>)
      %broadcast_in_dim3A_65 = arith.constant 0.000000e+00 : f32
      %broadcast_in_dim3A_66 = vector.broadcast %broadcast_in_dim3A_65 : f32 to vector<16xf32>
      %broadcast_in_dim3A_67 = arith.constant 0x7F800000 : f32
      %broadcast_in_dim3A_68 = vector.broadcast %broadcast_in_dim3A_67 : f32 to vector<16xf32>
      %broadcast_in_dim3A_69 = arith.constant 0xFF800000 : f32
      %broadcast_in_dim3A_70 = vector.broadcast %broadcast_in_dim3A_69 : f32 to vector<16xf32>
      %parallel_loop3A_71 = arith.constant 0 : i32
      %parallel_loop3A_72 = arith.constant 2048 : i32
      %parallel_loop3A_73 = arith.constant 1 : i32
      %parallel_loop3A_74:5 = scf.for %parallel_loop3A_118 = %parallel_loop3A_71 to %parallel_loop3A_72 step %parallel_loop3A_73 iter_args(%parallel_loop3A_119 = %broadcast_in_dim3A_66, %parallel_loop3A_120 = %broadcast_in_dim3A_66, %parallel_loop3A_121 = %broadcast_in_dim3A_66, %parallel_loop3A_122 = %broadcast_in_dim3A_68, %parallel_loop3A_123 = %broadcast_in_dim3A_70) -> (vector<16xf32>, vector<16xf32>, vector<16xf32>, vector<16xf32>, vector<16xf32>)  : i32 {
        %parallel_loop3A_124 = arith.constant 3 : i32
        %parallel_loop3A_125 = arith.shrsi %parallel_loop3A_118, %parallel_loop3A_124 : i32
        %parallel_loop3A_126 = arith.constant 7 : i32
        %parallel_loop3A_127 = arith.andi %parallel_loop3A_118, %parallel_loop3A_126 : i32
        %parallel_loop3A_128 = arith.constant 16 : i32
        %parallel_loop3A_129 = arith.muli %parallel_loop3A_127, %parallel_loop3A_128 : i32
        %parallel_loop3A_130 = arith.index_cast %parallel_loop3A_125 : i32 to index
        %parallel_loop3A_131 = arith.index_cast %parallel_loop3A_129 : i32 to index
        %parallel_loop3A_132 = tpu.vector_load %arg5[%parallel_loop3A_130, %parallel_loop3A_131] {strides = array<i32>} : memref<256x128xf32, #tpu.memory_space<vmem>>, vector<16xf32>,
        %parallel_loop3A_133 = arith.addf %parallel_loop3A_119, %parallel_loop3A_132 : vector<16xf32>
        %parallel_loop3A_134 = arith.mulf %parallel_loop3A_132, %parallel_loop3A_132 : vector<16xf32>
        %parallel_loop3A_135 = arith.addf %parallel_loop3A_120, %parallel_loop3A_134 : vector<16xf32>
        %parallel_loop3A_136 = arith.mulf %parallel_loop3A_134, %parallel_loop3A_132 : vector<16xf32>
        %parallel_loop3A_137 = arith.addf %parallel_loop3A_121, %parallel_loop3A_136 : vector<16xf32>
        %parallel_loop3A_138 = arith.minimumf %parallel_loop3A_122, %parallel_loop3A_132 : vector<16xf32>
        %parallel_loop3A_139 = arith.maximumf %parallel_loop3A_123, %parallel_loop3A_132 : vector<16xf32>
        %parallel_loop3A_140 = tpu.bitcast %parallel_loop3A_132 : vector<16xf32> -> vector<16xi32>
        %parallel_loop3A_141 = arith.constant 31 : i32
        %parallel_loop3A_142 = vector.broadcast %parallel_loop3A_141 : i32 to vector<16xi32>
        %parallel_loop3A_143 = arith.shrsi %parallel_loop3A_140, %parallel_loop3A_142 : vector<16xi32>
        %parallel_loop3A_144 = arith.constant -2147483648 : i32
        %parallel_loop3A_145 = vector.broadcast %parallel_loop3A_144 : i32 to vector<16xi32>
        %parallel_loop3A_146 = arith.ori %parallel_loop3A_143, %parallel_loop3A_145 : vector<16xi32>
        %parallel_loop3A_147 = arith.xori %parallel_loop3A_140, %parallel_loop3A_146 : vector<16xi32>
        %parallel_loop3A_148 = arith.shrui %parallel_loop3A_147, %broadcast_in_dim3A_5 : vector<16xi32>
        %parallel_loop3A_149 = arith.andi %parallel_loop3A_148, %broadcast_in_dim3A_7 : vector<16xi32>
        %parallel_loop3A_150 = arith.ori %parallel_loop3A_149, %iota3A : vector<16xi32>
        tpu.vector_store_idx %arg7[%parallel_loop3A_150], %broadcast_in_dim3A_3 {add = true} : memref<32768xf32, #tpu.memory_space<vmem>>[vector<16xi32>], vector<16xf32>,
        scf.yield %parallel_loop3A_133, %parallel_loop3A_135, %parallel_loop3A_137, %parallel_loop3A_138, %parallel_loop3A_139 : vector<16xf32>, vector<16xf32>, vector<16xf32>, vector<16xf32>, vector<16xf32>
      } {sc.loop_unroll_factor = 8 : i64, sc.parallel_access}
      %add3A_75 = arith.addf %scan3A_47, %parallel_loop3A_74#0 : vector<16xf32>
      %add3A_76 = arith.addf %scan3A_48, %parallel_loop3A_74#1 : vector<16xf32>
      %add3A_77 = arith.addf %scan3A_49, %parallel_loop3A_74#2 : vector<16xf32>
      %min3A = arith.minimumf %scan3A_50, %parallel_loop3A_74#3 : vector<16xf32>
      %max3A = arith.maximumf %scan3A_51, %parallel_loop3A_74#4 : vector<16xf32>
      %add3A_78 = arith.constant 2 : i32
      %add3A_79 = arith.addi %add3A_55, %add3A_78 : i32
      %lt3A = arith.constant 32 : i32
      %lt3A_80 = arith.cmpi slt, %add3A_79, %lt3A : i32
      %convert_element_type3A = arith.extui %lt3A_80 : i1 to i32
      %cond3A = arith.constant 0 : i32
      %cond3A_81 = arith.cmpi ne, %convert_element_type3A, %cond3A : i32
      scf.if %cond3A_81 {
        %add3A_118 = arith.constant 2 : i32
        %add3A_119 = arith.addi %add3A_55, %add3A_118 : i32
        %mul3A_120 = arith.constant 256 : i32
        %mul3A_121 = arith.muli %add3A_119, %mul3A_120 : i32
        %multiple_of3A_122 = tpu.assume_multiple %mul3A_121, 8 : i32
        %dma_start3A_123 = arith.constant 0 : i32
        %dma_start3A_124 = tpu.memref_slice %arg2[%shift_right_logical3A_1, %multiple_of3A_122, %and3A_2, %dma_start3A_123] : memref<4x8192x8x128xf32, #tpu.memory_space<hbm>> -> memref<1x256x1x128xf32, #tpu.memory_space<hbm>>
        %dma_start3A_125 = tpu.memref_squeeze %dma_start3A_124 : memref<1x256x1x128xf32, #tpu.memory_space<hbm>> -> memref<256x128xf32, #tpu.memory_space<hbm>>
        %dma_start3A_126 = arith.constant 0 : i32
        %dma_start3A_127 = tpu.memref_slice %arg2[%shift_right_logical3A_1, %multiple_of3A_122, %and3A_2, %dma_start3A_126] : memref<4x8192x8x128xf32, #tpu.memory_space<hbm>> -> memref<1x256x1x128xf32, #tpu.memory_space<hbm>>
        %dma_start3A_128 = tpu.memref_squeeze %dma_start3A_127 : memref<1x256x1x128xf32, #tpu.memory_space<hbm>> -> memref<256x128xf32, #tpu.memory_space<hbm>>
        tpu.enqueue_dma source(%dma_start3A_128 : memref<256x128xf32, #tpu.memory_space<hbm>>) target(%arg5 : memref<256x128xf32, #tpu.memory_space<vmem>>) target_semaphore(%arg9 : memref<!tpu.dma_semaphore, #tpu.memory_space<semaphore_mem>>)
      } else {
      }
      %mul3A_82 = arith.constant 2 : i32
      %mul3A_83 = arith.muli %mul3A_82, %scan3A_46 : i32
      %add3A_84 = arith.constant 1 : i32
      %add3A_85 = arith.addi %mul3A_83, %add3A_84 : i32
      %dma_wait3A_86 = arith.constant 0 : i32
      %dma_wait3A_87 = arith.constant 0 : i32
      %dma_wait3A_88 = arith.constant 0 : i32
      %dma_wait3A_89 = arith.constant 0 : i32
      %dma_wait3A_90 = tpu.memref_slice %arg2[%dma_wait3A_86, %dma_wait3A_88, %dma_wait3A_87, %dma_wait3A_89] : memref<4x8192x8x128xf32, #tpu.memory_space<hbm>> -> memref<1x256x1x128xf32, #tpu.memory_space<hbm>>
      %dma_wait3A_91 = tpu.memref_squeeze %dma_wait3A_90 : memref<1x256x1x128xf32, #tpu.memory_space<hbm>> -> memref<256x128xf32, #tpu.memory_space<hbm>>
      %dma_wait3A_92 = arith.constant 0 : i32
      %dma_wait3A_93 = arith.constant 0 : i32
      %dma_wait3A_94 = tpu.memref_slice %arg2[%dma_wait3A_86, %dma_wait3A_92, %dma_wait3A_87, %dma_wait3A_93] : memref<4x8192x8x128xf32, #tpu.memory_space<hbm>> -> memref<1x256x1x128xf32, #tpu.memory_space<hbm>>
      %dma_wait3A_95 = tpu.memref_squeeze %dma_wait3A_94 : memref<1x256x1x128xf32, #tpu.memory_space<hbm>> -> memref<256x128xf32, #tpu.memory_space<hbm>>
      tpu.wait_dma2 semaphore(%arg10 : memref<!tpu.dma_semaphore, #tpu.memory_space<semaphore_mem>>) src(%dma_wait3A_95 : memref<256x128xf32, #tpu.memory_space<hbm>>) dst(%arg6 : memref<256x128xf32, #tpu.memory_space<vmem>>)
      %broadcast_in_dim3A_96 = arith.constant 0.000000e+00 : f32
      %broadcast_in_dim3A_97 = vector.broadcast %broadcast_in_dim3A_96 : f32 to vector<16xf32>
      %broadcast_in_dim3A_98 = arith.constant 0x7F800000 : f32
      %broadcast_in_dim3A_99 = vector.broadcast %broadcast_in_dim3A_98 : f32 to vector<16xf32>
      %broadcast_in_dim3A_100 = arith.constant 0xFF800000 : f32
      %broadcast_in_dim3A_101 = vector.broadcast %broadcast_in_dim3A_100 : f32 to vector<16xf32>
      %parallel_loop3A_102 = arith.constant 0 : i32
      %parallel_loop3A_103 = arith.constant 2048 : i32
      %parallel_loop3A_104 = arith.constant 1 : i32
      %parallel_loop3A_105:5 = scf.for %parallel_loop3A_118 = %parallel_loop3A_102 to %parallel_loop3A_103 step %parallel_loop3A_104 iter_args(%parallel_loop3A_119 = %broadcast_in_dim3A_97, %parallel_loop3A_120 = %broadcast_in_dim3A_97, %parallel_loop3A_121 = %broadcast_in_dim3A_97, %parallel_loop3A_122 = %broadcast_in_dim3A_99, %parallel_loop3A_123 = %broadcast_in_dim3A_101) -> (vector<16xf32>, vector<16xf32>, vector<16xf32>, vector<16xf32>, vector<16xf32>)  : i32 {
        %parallel_loop3A_124 = arith.constant 3 : i32
        %parallel_loop3A_125 = arith.shrsi %parallel_loop3A_118, %parallel_loop3A_124 : i32
        %parallel_loop3A_126 = arith.constant 7 : i32
        %parallel_loop3A_127 = arith.andi %parallel_loop3A_118, %parallel_loop3A_126 : i32
        %parallel_loop3A_128 = arith.constant 16 : i32
        %parallel_loop3A_129 = arith.muli %parallel_loop3A_127, %parallel_loop3A_128 : i32
        %parallel_loop3A_130 = arith.index_cast %parallel_loop3A_125 : i32 to index
        %parallel_loop3A_131 = arith.index_cast %parallel_loop3A_129 : i32 to index
        %parallel_loop3A_132 = tpu.vector_load %arg6[%parallel_loop3A_130, %parallel_loop3A_131] {strides = array<i32>} : memref<256x128xf32, #tpu.memory_space<vmem>>, vector<16xf32>,
        %parallel_loop3A_133 = arith.addf %parallel_loop3A_119, %parallel_loop3A_132 : vector<16xf32>
        %parallel_loop3A_134 = arith.mulf %parallel_loop3A_132, %parallel_loop3A_132 : vector<16xf32>
        %parallel_loop3A_135 = arith.addf %parallel_loop3A_120, %parallel_loop3A_134 : vector<16xf32>
        %parallel_loop3A_136 = arith.mulf %parallel_loop3A_134, %parallel_loop3A_132 : vector<16xf32>
        %parallel_loop3A_137 = arith.addf %parallel_loop3A_121, %parallel_loop3A_136 : vector<16xf32>
        %parallel_loop3A_138 = arith.minimumf %parallel_loop3A_122, %parallel_loop3A_132 : vector<16xf32>
        %parallel_loop3A_139 = arith.maximumf %parallel_loop3A_123, %parallel_loop3A_132 : vector<16xf32>
        %parallel_loop3A_140 = tpu.bitcast %parallel_loop3A_132 : vector<16xf32> -> vector<16xi32>
        %parallel_loop3A_141 = arith.constant 31 : i32
        %parallel_loop3A_142 = vector.broadcast %parallel_loop3A_141 : i32 to vector<16xi32>
        %parallel_loop3A_143 = arith.shrsi %parallel_loop3A_140, %parallel_loop3A_142 : vector<16xi32>
        %parallel_loop3A_144 = arith.constant -2147483648 : i32
        %parallel_loop3A_145 = vector.broadcast %parallel_loop3A_144 : i32 to vector<16xi32>
        %parallel_loop3A_146 = arith.ori %parallel_loop3A_143, %parallel_loop3A_145 : vector<16xi32>
        %parallel_loop3A_147 = arith.xori %parallel_loop3A_140, %parallel_loop3A_146 : vector<16xi32>
        %parallel_loop3A_148 = arith.shrui %parallel_loop3A_147, %broadcast_in_dim3A_5 : vector<16xi32>
        %parallel_loop3A_149 = arith.andi %parallel_loop3A_148, %broadcast_in_dim3A_7 : vector<16xi32>
        %parallel_loop3A_150 = arith.ori %parallel_loop3A_149, %iota3A : vector<16xi32>
        tpu.vector_store_idx %arg7[%parallel_loop3A_150], %broadcast_in_dim3A_3 {add = true} : memref<32768xf32, #tpu.memory_space<vmem>>[vector<16xi32>], vector<16xf32>,
        scf.yield %parallel_loop3A_133, %parallel_loop3A_135, %parallel_loop3A_137, %parallel_loop3A_138, %parallel_loop3A_139 : vector<16xf32>, vector<16xf32>, vector<16xf32>, vector<16xf32>, vector<16xf32>
      } {sc.loop_unroll_factor = 8 : i64, sc.parallel_access}
      %add3A_106 = arith.addf %add3A_75, %parallel_loop3A_105#0 : vector<16xf32>
      %add3A_107 = arith.addf %add3A_76, %parallel_loop3A_105#1 : vector<16xf32>
      %add3A_108 = arith.addf %add3A_77, %parallel_loop3A_105#2 : vector<16xf32>
      %min3A_109 = arith.minimumf %min3A, %parallel_loop3A_105#3 : vector<16xf32>
      %max3A_110 = arith.maximumf %max3A, %parallel_loop3A_105#4 : vector<16xf32>
      %add3A_111 = arith.constant 2 : i32
      %add3A_112 = arith.addi %add3A_85, %add3A_111 : i32
      %lt3A_113 = arith.constant 32 : i32
      %lt3A_114 = arith.cmpi slt, %add3A_112, %lt3A_113 : i32
      %convert_element_type3A_115 = arith.extui %lt3A_114 : i1 to i32
      %cond3A_116 = arith.constant 0 : i32
      %cond3A_117 = arith.cmpi ne, %convert_element_type3A_115, %cond3A_116 : i32
      scf.if %cond3A_117 {
        %add3A_118 = arith.constant 2 : i32
        %add3A_119 = arith.addi %add3A_85, %add3A_118 : i32
        %mul3A_120 = arith.constant 256 : i32
        %mul3A_121 = arith.muli %add3A_119, %mul3A_120 : i32
        %multiple_of3A_122 = tpu.assume_multiple %mul3A_121, 8 : i32
        %dma_start3A_123 = arith.constant 0 : i32
        %dma_start3A_124 = tpu.memref_slice %arg2[%shift_right_logical3A_1, %multiple_of3A_122, %and3A_2, %dma_start3A_123] : memref<4x8192x8x128xf32, #tpu.memory_space<hbm>> -> memref<1x256x1x128xf32, #tpu.memory_space<hbm>>
        %dma_start3A_125 = tpu.memref_squeeze %dma_start3A_124 : memref<1x256x1x128xf32, #tpu.memory_space<hbm>> -> memref<256x128xf32, #tpu.memory_space<hbm>>
        %dma_start3A_126 = arith.constant 0 : i32
        %dma_start3A_127 = tpu.memref_slice %arg2[%shift_right_logical3A_1, %multiple_of3A_122, %and3A_2, %dma_start3A_126] : memref<4x8192x8x128xf32, #tpu.memory_space<hbm>> -> memref<1x256x1x128xf32, #tpu.memory_space<hbm>>
        %dma_start3A_128 = tpu.memref_squeeze %dma_start3A_127 : memref<1x256x1x128xf32, #tpu.memory_space<hbm>> -> memref<256x128xf32, #tpu.memory_space<hbm>>
        tpu.enqueue_dma source(%dma_start3A_128 : memref<256x128xf32, #tpu.memory_space<hbm>>) target(%arg6 : memref<256x128xf32, #tpu.memory_space<vmem>>) target_semaphore(%arg10 : memref<!tpu.dma_semaphore, #tpu.memory_space<semaphore_mem>>)
      } else {
      }
      scf.yield %add3A_106, %add3A_107, %add3A_108, %min3A_109, %max3A_110 : vector<16xf32>, vector<16xf32>, vector<16xf32>, vector<16xf32>, vector<16xf32>
    }
    %scan3A_36 = arith.constant 16 : i32
    %swap3A = arith.constant 0 : index
    %swap3A_37 = tpu.vector_load %arg8[%swap3A] {strides = array<i32>} : memref<80xf32, #tpu.memory_space<vmem>>, vector<16xf32>,
    tpu.vector_store %arg8[%swap3A], %scan3A_35#0 {strides = array<i32>} : memref<80xf32, #tpu.memory_space<vmem>>, vector<16xf32>,
    %swap3A_38 = arith.constant 16 : index
    %swap3A_39 = tpu.vector_load %arg8[%swap3A_38] {strides = array<i32>} : memref<80xf32, #tpu.memory_space<vmem>>, vector<16xf32>,
    tpu.vector_store %arg8[%swap3A_38], %scan3A_35#1 {strides = array<i32>} : memref<80xf32, #tpu.memory_space<vmem>>, vector<16xf32>,
    %swap3A_40 = arith.constant 32 : index
    %swap3A_41 = tpu.vector_load %arg8[%swap3A_40] {strides = array<i32>} : memref<80xf32, #tpu.memory_space<vmem>>, vector<16xf32>,
    tpu.vector_store %arg8[%swap3A_40], %scan3A_35#2 {strides = array<i32>} : memref<80xf32, #tpu.memory_space<vmem>>, vector<16xf32>,
    %swap3A_42 = arith.constant 48 : index
    %swap3A_43 = tpu.vector_load %arg8[%swap3A_42] {strides = array<i32>} : memref<80xf32, #tpu.memory_space<vmem>>, vector<16xf32>,
    tpu.vector_store %arg8[%swap3A_42], %scan3A_35#3 {strides = array<i32>} : memref<80xf32, #tpu.memory_space<vmem>>, vector<16xf32>,
    %swap3A_44 = arith.constant 64 : index
    %swap3A_45 = tpu.vector_load %arg8[%swap3A_44] {strides = array<i32>} : memref<80xf32, #tpu.memory_space<vmem>>, vector<16xf32>,
    tpu.vector_store %arg8[%swap3A_44], %scan3A_35#4 {strides = array<i32>} : memref<80xf32, #tpu.memory_space<vmem>>, vector<16xf32>,
    "tpu.region"() ({
      %run_scoped3A = tpu.sem_alloc : memref<!tpu.dma_semaphore, #tpu.memory_space<semaphore_mem>>
      %dma_start3A_46 = arith.constant 0 : i32
      %dma_start3A_47 = tpu.memref_slice %arg4[%add3A, %dma_start3A_46] : memref<32x80xf32, #tpu.memory_space<hbm>> -> memref<1x80xf32, #tpu.memory_space<hbm>>
      %dma_start3A_48 = tpu.memref_squeeze %dma_start3A_47 : memref<1x80xf32, #tpu.memory_space<hbm>> -> memref<80xf32, #tpu.memory_space<hbm>>
      %dma_start3A_49 = arith.constant 0 : i32
      %dma_start3A_50 = tpu.memref_slice %arg4[%add3A, %dma_start3A_49] : memref<32x80xf32, #tpu.memory_space<hbm>> -> memref<1x80xf32, #tpu.memory_space<hbm>>
      %dma_start3A_51 = tpu.memref_squeeze %dma_start3A_50 : memref<1x80xf32, #tpu.memory_space<hbm>> -> memref<80xf32, #tpu.memory_space<hbm>>
      tpu.enqueue_dma source(%arg8 : memref<80xf32, #tpu.memory_space<vmem>>) target(%dma_start3A_51 : memref<80xf32, #tpu.memory_space<hbm>>) target_semaphore(%run_scoped3A : memref<!tpu.dma_semaphore, #tpu.memory_space<semaphore_mem>>)
      %dma_wait3A = arith.constant 0 : i32
      %dma_wait3A_52 = tpu.memref_slice %arg4[%add3A, %dma_wait3A] : memref<32x80xf32, #tpu.memory_space<hbm>> -> memref<1x80xf32, #tpu.memory_space<hbm>>
      %dma_wait3A_53 = tpu.memref_squeeze %dma_wait3A_52 : memref<1x80xf32, #tpu.memory_space<hbm>> -> memref<80xf32, #tpu.memory_space<hbm>>
      %dma_wait3A_54 = arith.constant 0 : i32
      %dma_wait3A_55 = tpu.memref_slice %arg4[%add3A, %dma_wait3A_54] : memref<32x80xf32, #tpu.memory_space<hbm>> -> memref<1x80xf32, #tpu.memory_space<hbm>>
      %dma_wait3A_56 = tpu.memref_squeeze %dma_wait3A_55 : memref<1x80xf32, #tpu.memory_space<hbm>> -> memref<80xf32, #tpu.memory_space<hbm>>
      tpu.wait_dma2 semaphore(%run_scoped3A : memref<!tpu.dma_semaphore, #tpu.memory_space<semaphore_mem>>) src(%arg8 : memref<80xf32, #tpu.memory_space<vmem>>) dst(%dma_wait3A_56 : memref<80xf32, #tpu.memory_space<hbm>>)
      tpu.yield
    }) : () -> ()
    "tpu.region"() ({
      %run_scoped3A = tpu.sem_alloc : memref<!tpu.dma_semaphore, #tpu.memory_space<semaphore_mem>>
      %dma_start3A_46 = arith.constant 0 : i32
      %dma_start3A_47 = tpu.memref_slice %arg3[%add3A, %dma_start3A_46] : memref<32x32768xf32, #tpu.memory_space<hbm>> -> memref<1x32768xf32, #tpu.memory_space<hbm>>
      %dma_start3A_48 = tpu.memref_squeeze %dma_start3A_47 : memref<1x32768xf32, #tpu.memory_space<hbm>> -> memref<32768xf32, #tpu.memory_space<hbm>>
      %dma_start3A_49 = arith.constant 0 : i32
      %dma_start3A_50 = tpu.memref_slice %arg3[%add3A, %dma_start3A_49] : memref<32x32768xf32, #tpu.memory_space<hbm>> -> memref<1x32768xf32, #tpu.memory_space<hbm>>
      %dma_start3A_51 = tpu.memref_squeeze %dma_start3A_50 : memref<1x32768xf32, #tpu.memory_space<hbm>> -> memref<32768xf32, #tpu.memory_space<hbm>>
      tpu.enqueue_dma source(%arg7 : memref<32768xf32, #tpu.memory_space<vmem>>) target(%dma_start3A_51 : memref<32768xf32, #tpu.memory_space<hbm>>) target_semaphore(%run_scoped3A : memref<!tpu.dma_semaphore, #tpu.memory_space<semaphore_mem>>)
      %dma_wait3A = arith.constant 0 : i32
      %dma_wait3A_52 = tpu.memref_slice %arg3[%add3A, %dma_wait3A] : memref<32x32768xf32, #tpu.memory_space<hbm>> -> memref<1x32768xf32, #tpu.memory_space<hbm>>
      %dma_wait3A_53 = tpu.memref_squeeze %dma_wait3A_52 : memref<1x32768xf32, #tpu.memory_space<hbm>> -> memref<32768xf32, #tpu.memory_space<hbm>>
      %dma_wait3A_54 = arith.constant 0 : i32
      %dma_wait3A_55 = tpu.memref_slice %arg3[%add3A, %dma_wait3A_54] : memref<32x32768xf32, #tpu.memory_space<hbm>> -> memref<1x32768xf32, #tpu.memory_space<hbm>>
      %dma_wait3A_56 = tpu.memref_squeeze %dma_wait3A_55 : memref<1x32768xf32, #tpu.memory_space<hbm>> -> memref<32768xf32, #tpu.memory_space<hbm>>
      tpu.wait_dma2 semaphore(%run_scoped3A : memref<!tpu.dma_semaphore, #tpu.memory_space<semaphore_mem>>) src(%arg7 : memref<32768xf32, #tpu.memory_space<vmem>>) dst(%dma_wait3A_56 : memref<32768xf32, #tpu.memory_space<hbm>>)
      tpu.yield
    }) : () -> ()
    return
  }
}

</mosaic_0001>

<sc_bundles>
// kernel: kernel.4.cloned.1.call-start
scs
__scs_entry_jumppad:
0x0: {  	(pc) =	sbr.rel $0x88, $3  }
0x1: {  	(tag) =	ssettag $0x0;
	lr =	simm.s32 $0x1  }
0x2: {  	[smem:$0x3FA0] =	sst lr;
	_ =	strace $0xD0000000  }
0x3: {  	_ = 	snop  }
0x4: {  	_ = 	snop  }
0x5: {  	_ = 	snop  }
0x6: {  	_ = 	snop  }
0x7: {  	_ = 	snop  }
__scs_overlays_trampoline_lowered:
0x8: {  	[smem:$0x3FAF] =	sst s0  }
0x9: {  	[smem:$0x3FB0] =	sst s1  }
0xa: {  	[smem:$0x3FB1] =	sst s2  }
0xb: {  	[smem:$0x3FB2] =	sst s3  }
0xc: {  	[smem:$0x3FB3] =	sst s4  }
0xd: {  	[smem:$0x3FB4] =	sst s5  }
0xe: {  	[smem:$0x3FB5] =	sst s6  }
0xf: {  	[smem:$0x3FB6] =	sst s7  }
0x10: {  	[smem:$0x3FB7] =	sst s8  }
0x11: {  	[smem:$0x3FB8] =	sst s9;
	s0 =	simm.s32 @!p0 $0x0  }
0x12: {  	s1 =	sld [smem:$0x3F9E];
	s0 =	simm.s32 @p0 $0x1  }
0x13: {  	[smem:$0x3FB9] =	sst s0;
	s0 =	simm.s32 @!p1 $0x0  }
0x14: {  	s2 =	sld [smem:$0x3F9D];
	s0 =	simm.s32 @p1 $0x1  }
0x15: {  	[smem:$0x3FBA] =	sst s0;
	s0 =	simm.s32 @!p2 $0x0  }
0x16: {  	s3 =	sld [smem:$0x3FDB];
	s0 =	simm.s32 @p2 $0x1  }
0x17: {  	s4 =	simm.s32 $0x1BF5;
	[smem:$0x3FBC] =	sst s0  }
0x18: {  	s0 =	sld [smem:$0x3F9F];
	_ =	swait.ge [sflag:s4], $0x0  }
0x19: {  	s7 =	sld [smem:$0x3FA0]  }
0x1a: {  	s8 =	sadd.s32 $0xFFFFE003, lr  }
0x1b: {  	s9 =	sadd.s32 $0xFFFFFEF7, lr;
	s5 =	simm.s32 $0xFFFFFFFF;
	p2 =	slt.u32 s8, $0xFFFFF086  }
0x1c: {  	p1 =	slt.u32 s9, $0xF7A;
	s5 =	simm.s32 @!p2 $0x0  }
0x1d: {  	s5 =	simm.s32 @p1 $0x1;
	p0 =	seq.s32 s7, s2  }
0x1e: {  	s7 =	smul.u32 @!p0 $0xF7A, s2;
	p2 =	seq.s32 @!p0 s5, $0x0  }
0x1f: {  	s9 =	smul.u32 $0xF7A, s1;
	s8 =	simm.s32 @!p0 $0x1BF5;
	p2 =	por !p2, p0  }
0x20: {  	[sflag:s8] =	ssyncset.s32 @!p0 $0xFFFFF086;
	s6 =	sadd.s32 @!p0 s3, s7;
	s7 =	simm.s32 @!p0 $0x108  }
0x21: {  	s3 =	sadd.s32 s3, s9;
	s6 =	sadd.s32 @!p0 $0x88, s6;
	s7 =	simm.s32 @p2 $0x1082  }
0x22: {  	[simem:s7], [sflag:s8] =	dma.local @!p0 [hbm:s6], $0xF7A  }
0x23: {  	s9 =	sor.u32 $0xD0000000, s2;
	s6 =	simm.s32 $0x108;
	_ =	swait.ge @!p0 [sflag:s8], $0x0  }
0x24: {  	s3 =	sadd.s32 $0x88, s3;
	s6 =	simm.s32 @!p1 $0x1082;
	[sflag:s4] =	ssyncset.s32 $0xFFFFF086  }
0x25: {  	[simem:s6], [sflag:s4] =	dma.local [hbm:s3], $0xF7A  }
0x26: {  	[smem:$0x3FA0] =	sst s1;
	(tag) =	ssettag s2;
	_ =	strace s9  }
0x27: {  	s1 =	sld [smem:$0x3FB0]  }
0x28: {  	s2 =	sld [smem:$0x3FB1]  }
0x29: {  	s4 =	sld [smem:$0x3FB3]  }
0x2a: {  	p0 =	seq.s32 s5, $0x0;
	s5 =	sld [smem:$0x3FB4]  }
0x2b: {  	s6 =	sld [smem:$0x3FB5]  }
0x2c: {  	s7 =	sld [smem:$0x3FB6]  }
0x2d: {  	s3 =	simm.s32 $0x108;
	s8 =	sld [smem:$0x3FB7]  }
0x2e: {  	s3 =	simm.s32 @!p0 $0x1082;
	s9 =	sld [smem:$0x3FB8]  }
0x2f: {  	lr =	sadd.s32 s0, s3;
	s0 =	sld [smem:$0x3FAF]  }
0x30: {  	s3 =	sld [smem:$0x3FB2]  }
0x31: {  	[smem:$0x3FBB] =	sst s10  }
0x32: {  	s10 =	sld [smem:$0x3FB9];
	_ =	sdelay $0x3  }
0x33: {  	p0 =	seq.s32 s10, $0x1;
	s10 =	sld [smem:$0x3FBB];
	_ =	sdelay $0x3  }
0x34: {  	[smem:$0x3FBB] =	sst s10  }
0x35: {  	s10 =	sld [smem:$0x3FBA];
	_ =	sdelay $0x3  }
0x36: {  	p1 =	seq.s32 s10, $0x1;
	s10 =	sld [smem:$0x3FBB];
	_ =	sdelay $0x3  }
0x37: {  	[smem:$0x3FBB] =	sst s10  }
0x38: {  	s10 =	sld [smem:$0x3FBC]  }
0x39: {  	_ = 	snop;
	(pc) =	sbr.ind lr, $3  }
0x3a: {  	_ = 	snop  }
0x3b: {  	_ = 	snop  }
0x3c: {  	p2 =	seq.s32 s10, $0x1;
	s10 =	sld [smem:$0x3FBB]  }
0x3d: {  	_ =	shalt  }
0x3e: {  	_ =	shalt  }
0x3f: {  	_ =	shalt  }
0x40: {  	_ =	shalt  }
0x41: {  	_ =	shalt  }
0x42: {  	_ =	shalt  }
0x43: {  	_ =	shalt  }
0x44: {  	_ =	shalt  }
0x45: {  	_ =	shalt  }
0x46: {  	_ =	shalt  }
0x47: {  	_ =	shalt  }
0x48: {  	_ =	shalt  }
0x49: {  	_ =	shalt  }
0x4a: {  	_ =	shalt  }
0x4b: {  	_ =	shalt  }
0x4c: {  	_ =	shalt  }
0x4d: {  	_ =	shalt  }
0x4e: {  	_ =	shalt  }
0x4f: {  	_ =	shalt  }
0x50: {  	_ =	shalt  }
0x51: {  	_ =	shalt  }
0x52: {  	_ =	shalt  }
0x53: {  	_ =	shalt  }
0x54: {  	_ =	shalt  }
0x55: {  	_ =	shalt  }
0x56: {  	_ =	shalt  }
0x57: {  	_ =	shalt  }
0x58: {  	_ =	shalt  }
0x59: {  	_ =	shalt  }
0x5a: {  	_ =	shalt  }
0x5b: {  	_ =	shalt  }
0x5c: {  	_ =	shalt  }
0x5d: {  	_ =	shalt  }
0x5e: {  	_ =	shalt  }
0x5f: {  	_ =	shalt  }
0x60: {  	_ =	shalt  }
0x61: {  	_ =	shalt  }
0x62: {  	_ =	shalt  }
0x63: {  	_ =	shalt  }
0x64: {  	_ =	shalt  }
0x65: {  	_ =	shalt  }
0x66: {  	_ =	shalt  }
0x67: {  	_ =	shalt  }
0x68: {  	_ =	shalt  }
0x69: {  	_ =	shalt  }
0x6a: {  	_ =	shalt  }
0x6b: {  	_ =	shalt  }
0x6c: {  	_ =	shalt  }
0x6d: {  	_ =	shalt  }
0x6e: {  	_ =	shalt  }
0x6f: {  	_ =	shalt  }
0x70: {  	_ =	shalt  }
0x71: {  	_ =	shalt  }
0x72: {  	_ =	shalt  }
0x73: {  	_ =	shalt  }
0x74: {  	_ =	shalt  }
0x75: {  	_ =	shalt  }
0x76: {  	_ =	shalt  }
0x77: {  	_ =	shalt  }
0x78: {  	_ =	shalt  }
0x79: {  	_ =	shalt  }
0x7a: {  	_ =	shalt  }
0x7b: {  	_ =	shalt  }
0x7c: {  	_ =	shalt  }
0x7d: {  	_ =	shalt  }
0x7e: {  	_ =	shalt  }
0x7f: {  	_ =	shalt  }
0x80: {  	_ =	shalt  }
0x81: {  	_ =	shalt  }
0x82: {  	_ =	shalt  }
0x83: {  	_ =	shalt  }
0x84: {  	_ =	shalt  }
0x85: {  	_ =	shalt  }
0x86: {  	_ =	shalt  }
0x87: {  	_ =	shalt  }
.Lfunc_end0:
.L_simem_size_0:
called_computation_lowered:
.L_overlay_start_0:
0x88: {  	s2 =	sld [smem:$0x3FD9]  }
0x89: {  	s3 =	sld [smem:$0x3FFE];
	_ =	sdelay $0x1  }
0x8a: {  	s1 =	srdreg.scid  }
0x8b: {  	s0 =	sand.u32 $0x1, s1  }
0x8c: {  	s17 =	sshll.u32 s0, $0xA;
	s2 =	sadd.s32 s3, s2  }
0x8d: {  	s2 =	sadd.s32 s2, s17  }
0x8e: {  	[smem:$0x3FC7] =	sst s2  }
0x8f: {  	_ = 	snop  }
0x90: {  	s2 =	sld [smem:$0x3FC9]  }
0x91: {  	s18 =	sld [smem:$0x3FD0];
	(tm) =	ssettm $0x1  }
0x92: {  	s4 =	sld [smem:$0x3FFB];
	_ =	sdelay $0x3  }
0x93: {  	_ =	strace s4  }
0x94: {  	s4 =	sld [smem:$0x3FFC];
	_ =	sdelay $0x3  }
0x95: {  	_ =	strace s4  }
0x96: {  	s4 =	sld [smem:$0x3FFD];
	_ =	sdelay $0x3  }
0x97: {  	_ =	strace s4  }
0x98: {  	_ =	strace $0x8FFFFFFF  }
0x99: {  	s19 =	sld [smem:$0x3FDB];
	_ =	sdelay $0x1  }
0x9a: {  	s5 =	simm.s32 $_scs_section_size  }
0x9b: {  	s6 =	simm.s32 $_size__tile_overlayer_lowered;
	s7 =	simm.s32 $_tile_overlayer_lowered  }
0x9c: {  	s22 =	simm.s32 $0x1BFF;
	s21 =	sshll.u32 s7, $0x1;
	s4 =	sadd.s32 s5, s19  }
0x9d: {  	s8 =	simm.s32 $0x0;
	s20 =	sshll.u32 s6, $0x1;
	s6 =	sadd.s32 s21, s4  }
0x9e: {  	[timem:s8], [sflag:s22] =	dma.local [hbm:s6], s20  }
0x9f: {  	_ =	swait.ge [sflag:s22], s20  }
0xa0: {  	s5 =	ssub.s32 $0x0, s20;
	[sflag:s22] =	ssyncset.done $0x0  }
0xa1: {  	[sflag:s22] =	ssyncadd.s32 s5;
	_ =	sdelay $0x1  }
0xa2: {  	s23 =	simm.s32 $0x1B8B  }
0xa3: {  	_ =	swait.ge [sflag:s23], $0x1  }
0xa4: {  	[sflag:s23] =	ssyncset.done $0x0  }
0xa5: {  	s25 =	simm.s32 $0x1B8E;
	s24 =	sld [smem:$0x3FFE];
	[sflag:s23] =	ssyncadd.s32 $0xFFFFFFFF  }
0xa6: {  	s26 =	simm.s32 $execute0_lowered;
	[smem:$0x3FD2] =	sst s25  }
0xa7: {  	s6 =	sshll.u32 s26, $0x1;
	_ =	strace $0x80000046;
	[dreg:$0x1] =	wrdreg $0xFFFFFFFF  }
0xa8: {  	s28 =	simm.s32 $_size_execute0_lowered;
	s4 =	sadd.s32 s4, s6;
	[dreg:$0x0] =	wrdreg $0x0  }
0xa9: {  	s6 =	sshll.u32 s28, $0x1;
	[dreg:$0x2] =	wrdreg s4  }
0xaa: {  	[dreg:$0x3] =	wrdreg s6  }
0xab: {  	[dreg:$0x4] =	wrdreg $0xC0  }
0xac: {  	_ =	task [dreg:s8], $0x5FFFF  }
0xad: {  	[dreg:$0x1] =	wrdreg $0xFFFFFFFF  }
0xae: {  	[dreg:$0x0] =	wrdreg $0x60  }
0xaf: {  	[dreg:$0x2] =	wrdreg s2  }
0xb0: {  	[dreg:$0x3] =	wrdreg s24  }
0xb1: {  	[dreg:$0x4] =	wrdreg s18  }
0xb2: {  	[dreg:$0x5] =	wrdreg $0x9  }
0xb3: {  	_ =	task.clear_ibuf [dreg:s8], $0x6FFFF;
	_ =	strace $0x90000046  }
0xb4: {  	s29 =	simm.s32 $0x9;
	_ =	strace $0x80000048  }
0xb5: {  	_ =	swait.ge [sflag:s29], $0x1  }
0xb6: {  	[sflag:s29] =	ssyncadd.s32 $0xFFFFFFFF  }
0xb7: {  	_ =	strace $0x90000048  }
0xb8: {  	_ =	sfence  }
0xb9: {  	s30 =	sld [smem:$0x0];
	_ =	sdelay $0x2  }
0xba: {  	s31 =	sshll.u32 s1, $0xD;
	s1 =	sshrl.u32 s1, $0x2  }
0xbb: {  	s3 =	sand.u32 $0x4000, s31;
	s1 =	sadd.s32 s1, s30  }
0xbc: {  	s0 =	sor.u32 s3, s0;
	s1 =	sshll.u32 s1, $0x11  }
0xbd: {  	s0 =	sor.u32 s1, s0  }
0xbe: {  	s0 =	sadd.s32 $0x8F2B, s0  }
0xbf: {  	[sflag:s0] =	ssyncadd.remote.s32 $0x1  }
0xc0: {  	_ =	sfence.sel $0xFFFF  }
0xc1: {  	[dreg:$0x0] =	wrdreg $0xFFFFFFFF;
	(pc) =	sbr.abs _section_cstart, $3  }
0xc2: {  	[dreg:$0x1] =	wrdreg $0xFFFFFFFF  }
0xc3: {  	_ =	task.clear_ibuf [dreg:s8], $0x2FFFF;
	_ =	strace $0x9FFFFFFF  }
0xc4: {  	(tm) =	ssettm $0x7FFFFFFF  }
0xc5: {  	_ =	shalt  }
tec
execute0_lowered:
.L_overlay_start_1:
0x0: {  	(tag) =	ssettag $0x1  }
0x1: {  	s1 =	rddreg [dreg:$0x0]  }
0x2: {  	s0 =	srdreg.scid;
	s9 =	rddreg [dreg:$0x1]  }
0x3: {  	s8 =	rddreg [dreg:$0x2];
	s3 =	simm.s32 $0x0;
	s14 =	simm.s32 $0x1  }
0x4: {  	s15 =	simm.s32 $0x10000;
	s16 =	simm.s32 $0x2;
	s17 =	simm.s32 $0x18000  }
0x5: {  	s18 =	simm.s32 $0x3;
	s19 =	simm.s32 $0x0;
	s4 =	sand.u32 $0x1, s0  }
0x6: {  	s0 =	stileid.u32;
	[smem:$0x7FF] =	sst s3;
	s2 =	sshll.u32 s4, $0x4  }
0x7: {  	s7 =	sshll.u32 s0, $0x7;
	s4 =	ssub.s32 $0x2, s4;
	s5 =	sor.u32 s0, s2  }
0x8: {  	s2 =	rddreg [dreg:$0x3];
	s10 =	sshrl.u32 s4, $0x1;
	_ =	strace $0x80000047  }
0x9: {  	s6 =	sshll.u32 s5, $0x14;
	s10 =	ssub.s32 s4, s10;
	s29 =	sshrl.u32 s5, $0x3  }
0xa: {  	s6 =	sor.u32 s7, s6;
	s7 =	sand.u32 $0x380, s7;
	s12 =	sshll.u32 s29, $0xA  }
0xb: {  	s13 =	sshll.u32 s29, $0x12;
	s10 =	smax.u32 s10, $0x1;
	s11 =	sand.u32 $0x1800380, s6  }
.Ltmp0:
0xc: {  	s12 =	sor.u32 s7, s12;
	s13 =	sor.u32 s7, s13;
	(pc) =	sbr.rel .LBB2_1-.Ltmp0, $4  }
0xd: {  	s28 =	sshrl.u32 s11, $0x3;
	s6 =	sor.u32 $0x80000, s11;
	s7 =	sor.u32 $0xC0000, s11  }
0xe: {  	s30 =	sshrl.u32 s12, $0x3;
	s31 =	sshrl.u32 s13, $0x3;
	s11 =	simm.s32 $0x80  }
0xf: {  	v0 =	vimm.f32 $0.0e+00;
	v1 =	vlaneseq.u32;
	v2 =	vimm.f32 $1.000000000e+00;
	s12 =	simm.s32 $0x400;
	s13 =	simm.s32 $0x8000;
	s4 =	sadd.s32 s1, s28  }
0x10: {  	v3 =	vimm.f32 $0.0e+00;
	v4 =	vimm.f32 $+Inf;
	v5 =	vimm.f32 $-Inf;
	s8 =	sadd.s32 s8, s30;
	s9 =	sadd.s32 s9, s31;
	s5 =	sadd.s32 $0x8000, s4  }
.LBB2_10:
0x11: {  	[tilespmem:$0x18000] =	vst v10  }
0x12: {  	[tilespmem:$0x18010] =	vst v9  }
0x13: {  	[tilespmem:$0x18020] =	vst v8  }
0x14: {  	[tilespmem:$0x18030] =	vst v7  }
0x15: {  	[tilespmem:$0x18040] =	vst v6  }
0x16: {  	[hbm4b:s8+s3] =	stream.linear.scatter [tilespmem:s17], [sflag:$0x3], $0x80, $0x38;
	[tilespmem:$0x18080] =	vst v63  }
0x17: {  	s19 =	sadd.s32 $0x1, s19;
	_ =	swait.ge [sflag:s18], $0x80  }
0x18: {  	p0 =	sne.s32 s19, s10;
	[sflag:s18] =	ssyncset.done $0x0  }
.Ltmp1:
0x19: {  	[sflag:s18] =	ssyncadd.s32 $0xFFFFFF80;
	(pc) =	sbr.rel @!p0 .LBB2_11-.Ltmp1, $4  }
0x1a: {  	[hbm4b:s9+s11] =	stream.strided.scatter [tilespmem:s15], [sflag:$0x3], $0x8000, s12, s11, $0x38;
	[tilespmem:$0x18080] =	vst v63  }
0x1b: {  	_ =	swait.ge [sflag:s18], $0x8000  }
0x1c: {  	[sflag:s18] =	ssyncset.done $0x0  }
0x1d: {  	[sflag:s18] =	ssyncadd.s32 $0xFFFF8000  }
.LBB2_1:
0x1e: {  	s20 =	simm.s32 $0x10040  }
0x1f: {  	[tilespmem:s20+$0xFFFFFFC0] =	vst v0  }
0x20: {  	[tilespmem:s20+$0x30] =	vst v0  }
0x21: {  	[tilespmem:s20+$0x20] =	vst v0  }
0x22: {  	[tilespmem:s20+$0x10] =	vst v0  }
0x23: {  	[tilespmem:s20+$0x0] =	vst v0  }
0x24: {  	[tilespmem:s20+$0xFFFFFFF0] =	vst v0  }
0x25: {  	s21 =	simm.s32 $0x0;
	[tilespmem:s20+$0xFFFFFFE0] =	vst v0  }
.LBB2_2:
0x26: {  	s21 =	sadd.s32 $0x8, s21;
	[tilespmem:s20+$0xFFFFFFD0] =	vst v0;
	s20 =	sadd.s32 $0x80, s20  }
0x27: {  	[tilespmem:s20+$0xFFFFFFC0] =	vst v0;
	p0 =	slt.u32 s21, $0x7F8  }
0x28: {  	[tilespmem:s20+$0x30] =	vst v0  }
.Ltmp2:
0x29: {  	[tilespmem:s20+$0x20] =	vst v0;
	(pc) =	sbr.rel @p0 .LBB2_2-.Ltmp2, $4  }
0x2a: {  	[tilespmem:s20+$0x10] =	vst v0  }
0x2b: {  	[tilespmem:s20+$0x0] =	vst v0  }
0x2c: {  	[tilespmem:s20+$0xFFFFFFF0] =	vst v0  }
0x2d: {  	[tilespmem:s20+$0xFFFFFFE0] =	vst v0  }
0x2e: {  	[tilespmem:s20+$0xFFFFFFD0] =	vst v0;
	s20 =	simm.s32 $0x0  }
0x2f: {  	[tilespmem:s20], [sflag:$0x1] =	stream.strided.gather [hbm4b:s4+s11], $0x8000, s12, s11, $0x38;
	[tilespmem:$0x18080] =	vst v63  }
0x30: {  	v6 =	vimm.f32 $-Inf;
	v7 =	vimm.f32 $+Inf  }
0x31: {  	v8 =	vimm.f32 $0.0e+00;
	v9 =	vimm.f32 $0.0e+00;
	v10 =	vimm.f32 $0.0e+00;
	[tilespmem:s13], [sflag:$0x2] =	stream.strided.gather [hbm4b:s5+s11], $0x8000, s12, s11, $0x38;
	[tilespmem:$0x18080] =	vst v63  }
.LBB2_4:
0x32: {  	_ =	swait.ge [sflag:s14], $0x8000  }
0x33: {  	[sflag:s14] =	ssyncset.done $0x0  }
0x34: {  	s21 =	simm.s32 $0x40;
	[sflag:s14] =	ssyncadd.s32 $0xFFFF8000  }
0x35: {  	v11 =	vld [tilespmem:s21+$0xFFFFFFC0]  }
0x36: {  	v12 =	vld [tilespmem:s21+$0xFFFFFFD0]  }
0x37: {  	v13 =	vld [tilespmem:s21+$0xFFFFFFE0]  }
0x38: {  	v15 =	vld [tilespmem:s21+$0x30]  }
0x39: {  	v19 =	vld [tilespmem:s21+$0x20]  }
0x3a: {  	v20 =	vld [tilespmem:s21+$0x0]  }
0x3b: {  	s31 =	simm.s32 $0xC0;
	v23 =	vld [tilespmem:s21+$0x10]  }
0x3c: {  	v60 =	vld [tilespmem:s31+$0x30];
	v14 =	vshra.s32 v11, $0x1F  }
0x3d: {  	v37 =	vld [tilespmem:s31+$0x10];
	v16 =	vadd.f32 v11, v3;
	v18 =	vshra.s32 v12, $0x1F;
	v21 =	vmul.f32 v11, v11  }
0x3e: {  	v22 =	vshra.s32 v13, $0x1F;
	v24 =	vmul.f32 v15, v15;
	v27 =	vmul.f32 v12, v12  }
0x3f: {  	v25 =	vshra.s32 v15, $0x1F;
	v28 =	vmul.f32 v13, v13;
	v29 =	vmul.f32 v19, v19  }
0x40: {  	v31 =	vmul.f32 v23, v23;
	v49 =	vmul.f32 v20, v20;
	v34 =	vmin.f32 v4, v11  }
0x41: {  	v53 =	vshra.s32 v20, $0x1F;
	v54 =	vshra.s32 v23, $0x1F;
	v55 =	vshra.s32 v19, $0x1F  }
0x42: {  	v39 =	vshra.s32 v60, $0x1F;
	v40 =	vmul.f32 v37, v37;
	v14 =	vor.u32 $0x80000000, v14  }
0x43: {  	v18 =	vor.u32 $0x80000000, v18;
	v22 =	vor.u32 $0x80000000, v22;
	v52 =	vmin.f32 v34, v12  }
0x44: {  	v17 =	vld [tilespmem:s21+$0xFFFFFFF0];
	v25 =	vor.u32 $0x80000000, v25;
	v14 =	vxor.u32 v11, v14;
	v26 =	vmul.f32 v21, v11  }
0x45: {  	v16 =	vadd.f32 v12, v16;
	v30 =	vmul.f32 v27, v12;
	v48 =	vmul.f32 v28, v13  }
0x46: {  	v21 =	vadd.f32 v21, v3;
	v32 =	vmul.f32 v24, v15;
	v33 =	vmul.f32 v29, v19  }
0x47: {  	v51 =	vmul.f32 v49, v20;
	v11 =	vmax.f32 v5, v11;
	v14 =	vshrl.u32 v14, $0x11  }
0x48: {  	v11 =	vmax.f32 v11, v12;
	v12 =	vxor.u32 v12, v18;
	v16 =	vadd.f32 v13, v16  }
0x49: {  	v26 =	vadd.f32 v26, v3;
	v21 =	vadd.f32 v27, v21;
	v27 =	vmul.f32 v17, v17  }
0x4a: {  	v11 =	vmax.f32 v11, v13;
	v12 =	vshrl.u32 v12, $0x11;
	v14 =	vand.u32 $0x7FF0, v14  }
0x4b: {  	v11 =	vmax.f32 v11, v17;
	v12 =	vand.u32 $0x7FF0, v12;
	v26 =	vadd.f32 v30, v26  }
0x4c: {  	v16 =	vadd.f32 v17, v16;
	v21 =	vadd.f32 v28, v21;
	v50 =	vmul.f32 v27, v17  }
0x4d: {  	v28 =	vmin.f32 v52, v13;
	v11 =	vmax.f32 v11, v20;
	v26 =	vadd.f32 v48, v26  }
0x4e: {  	v30 =	vor.u32 $0x80000000, v55;
	v16 =	vadd.f32 v20, v16;
	v21 =	vadd.f32 v27, v21  }
0x4f: {  	v13 =	vxor.u32 v13, v22;
	v28 =	vmin.f32 v28, v17;
	v26 =	vadd.f32 v50, v26  }
0x50: {  	v11 =	vmax.f32 v11, v23;
	v16 =	vadd.f32 v23, v16;
	v21 =	vadd.f32 v49, v21  }
0x51: {  	v13 =	vshrl.u32 v13, $0x11;
	v27 =	vmul.f32 v31, v23;
	v26 =	vadd.f32 v51, v26  }
0x52: {  	v13 =	vand.u32 $0x7FF0, v13;
	v16 =	vadd.f32 v19, v16;
	v21 =	vadd.f32 v31, v21  }
0x53: {  	v11 =	vmax.f32 v11, v19;
	v57 =	vor.u32 v1, v13;
	v26 =	vadd.f32 v27, v26  }
0x54: {  	v27 =	vmin.f32 v28, v20;
	v21 =	vadd.f32 v29, v21;
	v16 =	vadd.f32 v15, v16  }
0x55: {  	v28 =	vor.u32 $0x80000000, v53;
	v29 =	vor.u32 $0x80000000, v54;
	v26 =	vadd.f32 v33, v26  }
0x56: {  	v27 =	vmin.f32 v27, v23;
	v18 =	vxor.u32 v23, v29;
	v23 =	vor.u32 v1, v14  }
0x57: {  	v22 =	vld [tilespmem:s31+$0xFFFFFFD0];
	v27 =	vmin.f32 v27, v19;
	v21 =	vadd.f32 v24, v21;
	v24 =	vadd.f32 v32, v26  }
0x58: {  	v26 =	vmin.f32 v27, v15;
	v27 =	vmax.f32 v11, v15;
	v11 =	vshra.s32 v17, $0x1F  }
0x59: {  	v19 =	vxor.u32 v19, v30;
	v18 =	vshrl.u32 v18, $0x11;
	v11 =	vor.u32 $0x80000000, v11  }
0x5a: {  	v19 =	vshrl.u32 v19, $0x11;
	v11 =	vxor.u32 v17, v11;
	v17 =	vxor.u32 v20, v28;
	v20 =	vld [tilespmem:s31+$0xFFFFFFC0]  }
0x5b: {  	v18 =	vand.u32 $0x7FF0, v18;
	v15 =	vxor.u32 v15, v25;
	v19 =	vand.u32 $0x7FF0, v19  }
0x5c: {  	v25 =	vor.u32 v1, v12;
	v61 =	vor.u32 v1, v18;
	v18 =	vmul.f32 v22, v22  }
0x5d: {  	v15 =	vshrl.u32 v15, $0x11;
	v11 =	vshrl.u32 v11, $0x11;
	v17 =	vshrl.u32 v17, $0x11  }
0x5e: {  	v56 =	vld [tilespmem:s31+$0xFFFFFFE0];
	v14 =	vand.u32 $0x7FF0, v15;
	v11 =	vand.u32 $0x7FF0, v11;
	v17 =	vand.u32 $0x7FF0, v17  }
0x5f: {  	v58 =	vor.u32 v1, v11;
	v11 =	vadd.f32 v20, v16;
	v12 =	vshra.s32 v20, $0x1F  }
0x60: {  	v62 =	vld [tilespmem:s31+$0xFFFFFFF0];
	v59 =	vor.u32 v1, v17;
	v17 =	vmul.f32 v60, v60;
	v13 =	vor.u32 $0x80000000, v12  }
0x61: {  	v16 =	vshra.s32 v22, $0x1F;
	v13 =	vxor.u32 v20, v13;
	v15 =	vadd.f32 v22, v11  }
0x62: {  	v36 =	vld [tilespmem:s31+$0x0];
	v11 =	vor.u32 v1, v14;
	v14 =	vshrl.u32 v13, $0x11;
	v13 =	vmul.f32 v20, v20  }
0x63: {  	[tilespmem:v23+s15+$0x0] =	vst.idx.add.f32.msk $0xffff, v2;
	v35 =	vor.u32 $0x80000000, v16;
	v16 =	vshra.s32 v56, $0x1F;
	v15 =	vadd.f32 v56, v15  }
0x64: {  	v12 =	vor.u32 v1, v19;
	v19 =	vld [tilespmem:s31+$0x20];
	v38 =	vor.u32 $0x80000000, v16;
	v16 =	vmul.f32 v13, v20  }
0x65: {  	[tilespmem:v25+s15+$0x0] =	vst.idx.add.f32.msk $0xffff, v2;
	v25 =	vor.u32 $0x80000000, v39;
	v13 =	vadd.f32 v13, v21;
	v15 =	vadd.f32 v62, v15  }
0x66: {  	v21 =	vmul.f32 v56, v56;
	v16 =	vadd.f32 v16, v24;
	v24 =	vmul.f32 v18, v22  }
0x67: {  	v41 =	vmul.f32 v17, v60;
	v13 =	vadd.f32 v18, v13;
	v15 =	vadd.f32 v36, v15  }
0x68: {  	v18 =	vmul.f32 v62, v62;
	v16 =	vadd.f32 v24, v16;
	v24 =	vmul.f32 v21, v56  }
0x69: {  	v23 =	vmul.f32 v19, v19;
	v13 =	vadd.f32 v21, v13;
	v15 =	vadd.f32 v37, v15  }
0x6a: {  	v21 =	vmul.f32 v36, v36;
	v16 =	vadd.f32 v24, v16;
	v24 =	vmul.f32 v18, v62  }
0x6b: {  	v42 =	vmul.f32 v23, v19;
	v13 =	vadd.f32 v18, v13;
	v15 =	vadd.f32 v19, v15  }
0x6c: {  	v18 =	vmul.f32 v40, v37;
	v43 =	vmul.f32 v21, v36;
	v24 =	vadd.f32 v24, v16  }
0x6d: {  	v13 =	vadd.f32 v21, v13;
	v16 =	vadd.f32 v60, v15;
	v15 =	vmin.f32 v26, v20  }
0x6e: {  	v20 =	vmax.f32 v27, v20;
	v26 =	vxor.u32 v56, v38;
	v15 =	vmin.f32 v15, v22  }
0x6f: {  	v20 =	vmax.f32 v20, v22;
	v21 =	vadd.f32 v43, v24;
	v13 =	vadd.f32 v40, v13  }
0x70: {  	v24 =	vshra.s32 v19, $0x1F;
	v22 =	vxor.u32 v22, v35;
	v15 =	vmin.f32 v15, v56  }
0x71: {  	v20 =	vmax.f32 v20, v56;
	v24 =	vor.u32 $0x80000000, v24;
	v15 =	vmin.f32 v15, v62  }
0x72: {  	v20 =	vmax.f32 v20, v62;
	v18 =	vadd.f32 v18, v21;
	v13 =	vadd.f32 v23, v13  }
0x73: {  	v23 =	vshra.s32 v37, $0x1F;
	v15 =	vmin.f32 v15, v36;
	v20 =	vmax.f32 v20, v36  }
0x74: {  	v23 =	vor.u32 $0x80000000, v23;
	v15 =	vmin.f32 v15, v37;
	v20 =	vmax.f32 v20, v37  }
0x75: {  	v21 =	vadd.f32 v42, v18;
	v18 =	vadd.f32 v17, v13;
	v63 =	vxor.u32 v37, v23  }
0x76: {  	v15 =	vmin.f32 v15, v19;
	v20 =	vmax.f32 v20, v19;
	v19 =	vxor.u32 v19, v24  }
0x77: {  	[tilespmem:v57+s15+$0x0] =	vst.idx.add.f32.msk $0xffff, v2;
	v24 =	vshrl.u32 v22, $0x11;
	v22 =	vshrl.u32 v26, $0x11;
	v17 =	vadd.f32 v41, v21  }
0x78: {  	[tilespmem:v61+s15+$0x0] =	vst.idx.add.f32.msk $0xffff, v2;
	v13 =	vmax.f32 v20, v60;
	v20 =	vshra.s32 v62, $0x1F;
	v21 =	vshra.s32 v36, $0x1F  }
0x79: {  	[tilespmem:v58+s15+$0x0] =	vst.idx.add.f32.msk $0xffff, v2;
	v15 =	vmin.f32 v15, v60;
	v20 =	vor.u32 $0x80000000, v20;
	v21 =	vor.u32 $0x80000000, v21  }
0x7a: {  	v27 =	vxor.u32 v62, v20;
	v21 =	vxor.u32 v36, v21;
	v20 =	vxor.u32 v60, v25  }
0x7b: {  	s22 =	simm.s32 $0x140;
	s21 =	simm.s32 $0x8;
	[tilespmem:v59+s15+$0x0] =	vst.idx.add.f32.msk $0xffff, v2;
	v25 =	vshrl.u32 v27, $0x11;
	v23 =	vshrl.u32 v21, $0x11;
	v21 =	vshrl.u32 v63, $0x11  }
.LBB2_5:
0x7c: {  	v26 =	vld [tilespmem:s22+$0xFFFFFFC0];
	v14 =	vand.u32 $0x7FF0, v14;
	v27 =	vshrl.u32 v19, $0x11;
	v20 =	vshrl.u32 v20, $0x11  }
0x7d: {  	v24 =	vand.u32 $0x7FF0, v24;
	v22 =	vand.u32 $0x7FF0, v22;
	v25 =	vand.u32 $0x7FF0, v25;
	[tilespmem:v12+s15+$0x0] =	vst.idx.add.f32.msk $0xffff, v2  }
0x7e: {  	v21 =	vand.u32 $0x7FF0, v21;
	v12 =	vand.u32 $0x7FF0, v23;
	v23 =	vand.u32 $0x7FF0, v27;
	v19 =	vld [tilespmem:s22+$0xFFFFFFD0]  }
0x7f: {  	v27 =	vor.u32 v1, v14;
	v24 =	vor.u32 v1, v24;
	v14 =	vand.u32 $0x7FF0, v20;
	[tilespmem:v11+s15+$0x0] =	vst.idx.add.f32.msk $0xffff, v2  }
0x80: {  	s21 =	sadd.s32 $0x8, s21;
	v22 =	vor.u32 v1, v22;
	v25 =	vor.u32 v1, v25;
	v28 =	vor.u32 v1, v12;
	v20 =	vld [tilespmem:s22+$0xFFFFFFE0]  }
0x81: {  	p0 =	slt.u32 s21, $0x7F8;
	v30 =	vor.u32 v1, v21;
	v16 =	vadd.f32 v26, v16;
	v11 =	vshra.s32 v26, $0x1F;
	v29 =	vld [tilespmem:s22+$0x30]  }
0x82: {  	v12 =	vor.u32 v1, v23;
	v21 =	vor.u32 $0x80000000, v11;
	v31 =	vld [tilespmem:s22+$0xFFFFFFF0];
	v11 =	vor.u32 v1, v14  }
0x83: {  	v14 =	vxor.u32 v26, v21;
	v16 =	vadd.f32 v19, v16;
	v21 =	vshra.s32 v19, $0x1F;
	v23 =	vld [tilespmem:s22+$0x20]  }
0x84: {  	v14 =	vshrl.u32 v14, $0x11;
	v21 =	vor.u32 $0x80000000, v21;
	v32 =	vld [tilespmem:s22+$0x0]  }
0x85: {  	v33 =	vmul.f32 v26, v26;
	v16 =	vadd.f32 v20, v16;
	v34 =	vshra.s32 v20, $0x1F;
	v35 =	vld [tilespmem:s22+$0x10]  }
0x86: {  	v34 =	vor.u32 $0x80000000, v34;
	v36 =	vmul.f32 v29, v29;
	v37 =	vshra.s32 v29, $0x1F;
	[tilespmem:v27+s15+$0x0] =	vst.idx.add.f32.msk $0xffff, v2  }
0x87: {  	v38 =	vmul.f32 v19, v19;
	v27 =	vmul.f32 v33, v26;
	v16 =	vadd.f32 v31, v16  }
0x88: {  	v18 =	vadd.f32 v33, v18;
	v33 =	vmul.f32 v20, v20;
	v39 =	vmul.f32 v23, v23  }
0x89: {  	v17 =	vadd.f32 v27, v17;
	v27 =	vmul.f32 v38, v19;
	v16 =	vadd.f32 v32, v16  }
0x8a: {  	v18 =	vadd.f32 v38, v18;
	v38 =	vmul.f32 v31, v31;
	v40 =	vmul.f32 v35, v35  }
0x8b: {  	v17 =	vadd.f32 v27, v17;
	v27 =	vmul.f32 v33, v20;
	v16 =	vadd.f32 v35, v16  }
0x8c: {  	v18 =	vadd.f32 v33, v18;
	v41 =	vmul.f32 v36, v29;
	v33 =	vmul.f32 v32, v32  }
0x8d: {  	v17 =	vadd.f32 v27, v17;
	v27 =	vmul.f32 v38, v31;
	v16 =	vadd.f32 v23, v16  }
0x8e: {  	v18 =	vadd.f32 v38, v18;
	v42 =	vmul.f32 v39, v23;
	v38 =	vmul.f32 v40, v35  }
0x8f: {  	v17 =	vadd.f32 v27, v17;
	v27 =	vmul.f32 v33, v32;
	v16 =	vadd.f32 v29, v16  }
0x90: {  	v15 =	vmin.f32 v15, v26;
	v13 =	vmax.f32 v13, v26;
	v18 =	vadd.f32 v33, v18  }
0x91: {  	v15 =	vmin.f32 v15, v19;
	v13 =	vmax.f32 v13, v19;
	v17 =	vadd.f32 v27, v17  }
0x92: {  	v15 =	vmin.f32 v15, v20;
	v13 =	vmax.f32 v13, v20;
	v18 =	vadd.f32 v40, v18  }
0x93: {  	v15 =	vmin.f32 v15, v31;
	v13 =	vmax.f32 v13, v31;
	v17 =	vadd.f32 v38, v17  }
0x94: {  	v15 =	vmin.f32 v15, v32;
	v13 =	vmax.f32 v13, v32;
	v18 =	vadd.f32 v39, v18  }
0x95: {  	v15 =	vmin.f32 v15, v35;
	v13 =	vmax.f32 v13, v35;
	v17 =	vadd.f32 v42, v17  }
0x96: {  	v15 =	vmin.f32 v15, v23;
	v13 =	vmax.f32 v13, v23;
	v18 =	vadd.f32 v36, v18  }
0x97: {  	v15 =	vmin.f32 v15, v29;
	v13 =	vmax.f32 v13, v29;
	v17 =	vadd.f32 v41, v17  }
0x98: {  	v26 =	vshra.s32 v31, $0x1F;
	v33 =	vshra.s32 v35, $0x1F;
	v27 =	vshra.s32 v32, $0x1F;
	[tilespmem:v24+s15+$0x0] =	vst.idx.add.f32.msk $0xffff, v2  }
0x99: {  	v24 =	vor.u32 $0x80000000, v26;
	v26 =	vor.u32 $0x80000000, v27;
	v27 =	vshra.s32 v23, $0x1F;
	[tilespmem:v22+s15+$0x0] =	vst.idx.add.f32.msk $0xffff, v2  }
.Ltmp3:
0x9a: {  	v22 =	vor.u32 $0x80000000, v33;
	v27 =	vor.u32 $0x80000000, v27;
	v33 =	vor.u32 $0x80000000, v37;
	[tilespmem:v25+s15+$0x0] =	vst.idx.add.f32.msk $0xffff, v2;
	(pc) =	sbr.rel @p0 .LBB2_5-.Ltmp3, $4  }
0x9b: {  	v21 =	vxor.u32 v19, v21;
	v20 =	vxor.u32 v20, v34;
	v25 =	vxor.u32 v31, v24  }
0x9c: {  	v26 =	vxor.u32 v32, v26;
	v31 =	vxor.u32 v35, v22;
	v19 =	vxor.u32 v23, v27  }
0x9d: {  	v24 =	vshrl.u32 v21, $0x11;
	v22 =	vshrl.u32 v20, $0x11;
	v20 =	vxor.u32 v29, v33;
	[tilespmem:v28+s15+$0x0] =	vst.idx.add.f32.msk $0xffff, v2  }
0x9e: {  	s22 =	sadd.s32 $0x80, s22;
	v23 =	vshrl.u32 v26, $0x11;
	v25 =	vshrl.u32 v25, $0x11;
	v21 =	vshrl.u32 v31, $0x11;
	[tilespmem:v30+s15+$0x0] =	vst.idx.add.f32.msk $0xffff, v2  }
0x9f: {  	v14 =	vand.u32 $0x7FF0, v14  }
0xa0: {  	v24 =	vand.u32 $0x7FF0, v24;
	v14 =	vor.u32 v1, v14  }
0xa1: {  	v22 =	vand.u32 $0x7FF0, v22;
	v24 =	vor.u32 v1, v24  }
0xa2: {  	v25 =	vand.u32 $0x7FF0, v25;
	v22 =	vor.u32 v1, v22  }
0xa3: {  	[tilespmem:v12+s15+$0x0] =	vst.idx.add.f32.msk $0xffff, v2;
	v12 =	vand.u32 $0x7FF0, v23;
	v23 =	vor.u32 v1, v25  }
0xa4: {  	v21 =	vand.u32 $0x7FF0, v21;
	[tilespmem:v11+s15+$0x0] =	vst.idx.add.f32.msk $0xffff, v2;
	v11 =	vor.u32 v1, v12;
	v12 =	vshrl.u32 v20, $0x11  }
0xa5: {  	v19 =	vshrl.u32 v19, $0x11;
	v20 =	vor.u32 v1, v21;
	v12 =	vand.u32 $0x7FF0, v12;
	[tilespmem:v14+s15+$0x0] =	vst.idx.add.f32.msk $0xffff, v2  }
0xa6: {  	v19 =	vand.u32 $0x7FF0, v19;
	v12 =	vor.u32 v1, v12;
	[tilespmem:v24+s15+$0x0] =	vst.idx.add.f32.msk $0xffff, v2  }
0xa7: {  	v14 =	vor.u32 v1, v19;
	[tilespmem:v22+s15+$0x0] =	vst.idx.add.f32.msk $0xffff, v2  }
0xa8: {  	[tilespmem:v23+s15+$0x0] =	vst.idx.add.f32.msk $0xffff, v2  }
0xa9: {  	s21 =	sshll.u32 s20, $0x13;
	p0 =	seq.s32 s20, $0xF;
	[tilespmem:v11+s15+$0x0] =	vst.idx.add.f32.msk $0xffff, v2  }
0xaa: {  	s22 =	sadd.s32 @!p0 s21, s6;
	[tilespmem:v20+s15+$0x0] =	vst.idx.add.f32.msk $0xffff, v2  }
0xab: {  	s23 =	simm.s32 @!p0 $0x80;
	s22 =	sshrl.u32 @!p0 s22, $0x3;
	[tilespmem:v12+s15+$0x0] =	vst.idx.add.f32.msk $0xffff, v2  }
0xac: {  	s24 =	simm.s32 @!p0 $0x400;
	s25 =	simm.s32 @!p0 $0x0;
	s22 =	sadd.s32 @!p0 s1, s22;
	[tilespmem:v14+s15+$0x0] =	vst.idx.add.f32.msk $0xffff, v2  }
0xad: {  	[tilespmem:s25], [sflag:$0x1] =	stream.strided.gather @!p0 [hbm4b:s22+s23], $0x8000, s24, s23, $0x38;
	[tilespmem:$0x18080] =	vst v63  }
0xae: {  	_ =	swait.ge [sflag:s16], $0x8000  }
0xaf: {  	[sflag:s16] =	ssyncset.done $0x0  }
0xb0: {  	s30 =	simm.s32 $0x8040;
	[sflag:s16] =	ssyncadd.s32 $0xFFFF8000  }
0xb1: {  	v11 =	vld [tilespmem:s30+$0xFFFFFFC0]  }
0xb2: {  	v12 =	vld [tilespmem:s30+$0xFFFFFFD0]  }
0xb3: {  	v14 =	vld [tilespmem:s30+$0xFFFFFFE0]  }
0xb4: {  	v8 =	vadd.f32 v17, v8;
	v17 =	vld [tilespmem:s30+$0x30]  }
0xb5: {  	v20 =	vld [tilespmem:s30+$0xFFFFFFF0]  }
0xb6: {  	v22 =	vld [tilespmem:s30+$0x20]  }
0xb7: {  	v10 =	vadd.f32 v16, v10;
	v9 =	vadd.f32 v18, v9;
	v23 =	vld [tilespmem:s30+$0x0]  }
0xb8: {  	v7 =	vmin.f32 v7, v15;
	v15 =	vimm.f32 $0.0e+00;
	v6 =	vmax.f32 v6, v13;
	s31 =	simm.s32 $0x80C0;
	v26 =	vld [tilespmem:s30+$0x10]  }
0xb9: {  	v18 =	vimm.f32 $+Inf;
	v19 =	vimm.f32 $-Inf;
	v57 =	vld [tilespmem:s31+$0x20];
	v16 =	vshra.s32 v11, $0x1F  }
0xba: {  	v60 =	vld [tilespmem:s31+$0x10];
	v13 =	vadd.f32 v11, v15;
	v24 =	vmul.f32 v11, v11;
	v27 =	vmul.f32 v17, v17  }
0xbb: {  	v21 =	vshra.s32 v12, $0x1F;
	v30 =	vmul.f32 v12, v12;
	v31 =	vmul.f32 v14, v14  }
0xbc: {  	v25 =	vshra.s32 v14, $0x1F;
	v32 =	vmul.f32 v22, v22;
	v45 =	vmul.f32 v20, v20  }
0xbd: {  	v28 =	vshra.s32 v17, $0x1F;
	v33 =	vmul.f32 v26, v26;
	v47 =	vmul.f32 v23, v23  }
0xbe: {  	v18 =	vmin.f32 v18, v11;
	v51 =	vshra.s32 v26, $0x1F;
	v52 =	vshra.s32 v22, $0x1F  }
0xbf: {  	v39 =	vmul.f32 v57, v57;
	v40 =	vmul.f32 v60, v60;
	v16 =	vor.u32 $0x80000000, v16  }
0xc0: {  	v21 =	vor.u32 $0x80000000, v21;
	v25 =	vor.u32 $0x80000000, v25;
	v18 =	vmin.f32 v18, v12  }
0xc1: {  	v28 =	vor.u32 $0x80000000, v28;
	v29 =	vmul.f32 v24, v11;
	v44 =	vmul.f32 v30, v12  }
0xc2: {  	v16 =	vxor.u32 v11, v16;
	v46 =	vmul.f32 v31, v14;
	v34 =	vmul.f32 v27, v17  }
0xc3: {  	v13 =	vadd.f32 v12, v13;
	v48 =	vmul.f32 v45, v20;
	v49 =	vmul.f32 v33, v26  }
0xc4: {  	v24 =	vadd.f32 v24, v15;
	v35 =	vmul.f32 v32, v22;
	v50 =	vmul.f32 v47, v23  }
0xc5: {  	v11 =	vmax.f32 v19, v11;
	v18 =	vmin.f32 v18, v14;
	v62 =	vmul.f32 v40, v60  }
0xc6: {  	v42 =	vmul.f32 v39, v57;
	v16 =	vshrl.u32 v16, $0x11;
	v11 =	vmax.f32 v11, v12  }
0xc7: {  	v18 =	vmin.f32 v18, v20;
	v12 =	vxor.u32 v12, v21;
	v13 =	vadd.f32 v14, v13  }
0xc8: {  	v15 =	vadd.f32 v29, v15;
	v24 =	vadd.f32 v30, v24;
	v11 =	vmax.f32 v11, v14  }
0xc9: {  	v18 =	vmin.f32 v18, v23;
	v29 =	vor.u32 $0x80000000, v51;
	v30 =	vor.u32 $0x80000000, v52  }
0xca: {  	v14 =	vxor.u32 v14, v25;
	v12 =	vshrl.u32 v12, $0x11;
	v16 =	vand.u32 $0x7FF0, v16  }
0xcb: {  	v11 =	vmax.f32 v11, v20;
	v18 =	vmin.f32 v18, v26;
	v21 =	vxor.u32 v26, v29  }
0xcc: {  	v14 =	vshrl.u32 v14, $0x11;
	v12 =	vand.u32 $0x7FF0, v12;
	v24 =	vadd.f32 v31, v24  }
0xcd: {  	v16 =	vor.u32 v1, v16;
	v13 =	vadd.f32 v20, v13;
	v15 =	vadd.f32 v44, v15  }
0xce: {  	v25 =	vld [tilespmem:s31+$0xFFFFFFD0];
	v11 =	vmax.f32 v11, v23;
	v18 =	vmin.f32 v18, v22;
	v24 =	vadd.f32 v45, v24  }
0xcf: {  	v21 =	vshrl.u32 v21, $0x11;
	v14 =	vand.u32 $0x7FF0, v14;
	v11 =	vmax.f32 v11, v26  }
0xd0: {  	v18 =	vmin.f32 v18, v17;
	v21 =	vand.u32 $0x7FF0, v21;
	v19 =	vadd.f32 v47, v24  }
0xd1: {  	v53 =	vor.u32 v1, v14;
	v13 =	vadd.f32 v23, v13;
	v15 =	vadd.f32 v46, v15  }
0xd2: {  	v11 =	vmax.f32 v11, v22;
	v56 =	vor.u32 v1, v21;
	v19 =	vadd.f32 v33, v19  }
0xd3: {  	v38 =	vmul.f32 v25, v25;
	v13 =	vadd.f32 v26, v13;
	v15 =	vadd.f32 v48, v15  }
0xd4: {  	v21 =	vld [tilespmem:s31+$0xFFFFFFF0];
	v24 =	vmax.f32 v11, v17;
	v11 =	vshra.s32 v20, $0x1F;
	v19 =	vadd.f32 v32, v19  }
0xd5: {  	v26 =	vor.u32 v1, v12;
	v11 =	vor.u32 $0x80000000, v11;
	v13 =	vadd.f32 v22, v13  }
0xd6: {  	v15 =	vadd.f32 v50, v15;
	v19 =	vadd.f32 v27, v19;
	v27 =	vshra.s32 v23, $0x1F  }
0xd7: {  	v11 =	vxor.u32 v20, v11;
	v22 =	vxor.u32 v22, v30;
	v27 =	vor.u32 $0x80000000, v27  }
0xd8: {  	v11 =	vshrl.u32 v11, $0x11;
	v22 =	vshrl.u32 v22, $0x11;
	v20 =	vxor.u32 v23, v27;
	v23 =	vld [tilespmem:s31+$0xFFFFFFC0]  }
0xd9: {  	v61 =	vmul.f32 v21, v21;
	v15 =	vadd.f32 v49, v15;
	v13 =	vadd.f32 v17, v13  }
0xda: {  	v17 =	vxor.u32 v17, v28;
	v11 =	vand.u32 $0x7FF0, v11;
	v22 =	vand.u32 $0x7FF0, v22;
	v27 =	vld [tilespmem:s31+$0xFFFFFFE0]  }
0xdb: {  	v17 =	vshrl.u32 v17, $0x11;
	v54 =	vor.u32 v1, v11;
	[tilespmem:v26+s15+$0x0] =	vst.idx.add.f32.msk $0xffff, v2;
	v26 =	vshra.s32 v57, $0x1F  }
0xdc: {  	v15 =	vadd.f32 v35, v15;
	v17 =	vand.u32 $0x7FF0, v17;
	v20 =	vshrl.u32 v20, $0x11  }
0xdd: {  	v26 =	vor.u32 $0x80000000, v26;
	v20 =	vand.u32 $0x7FF0, v20;
	v11 =	vadd.f32 v23, v13  }
0xde: {  	v15 =	vadd.f32 v34, v15;
	v55 =	vor.u32 v1, v20;
	v12 =	vshra.s32 v23, $0x1F  }
0xdf: {  	v58 =	vld [tilespmem:s31+$0x0];
	v59 =	vshra.s32 v27, $0x1F;
	v13 =	vor.u32 $0x80000000, v12;
	v14 =	vadd.f32 v25, v11  }
0xe0: {  	v20 =	vld [tilespmem:s31+$0x30];
	v12 =	vor.u32 v1, v22;
	v11 =	vor.u32 v1, v17;
	v17 =	vmul.f32 v23, v23  }
0xe1: {  	[tilespmem:v16+s15+$0x0] =	vst.idx.add.f32.msk $0xffff, v2;
	v22 =	vshra.s32 v25, $0x1F;
	v34 =	vor.u32 $0x80000000, v59;
	v14 =	vadd.f32 v27, v14  }
0xe2: {  	v13 =	vxor.u32 v23, v13;
	v16 =	vmul.f32 v17, v23;
	v17 =	vadd.f32 v17, v19  }
0xe3: {  	v22 =	vor.u32 $0x80000000, v22;
	v19 =	vmul.f32 v27, v27;
	v14 =	vadd.f32 v21, v14  }
0xe4: {  	v15 =	vadd.f32 v16, v15;
	v16 =	vmul.f32 v38, v25;
	v17 =	vadd.f32 v38, v17  }
0xe5: {  	v13 =	vshrl.u32 v13, $0x11;
	v36 =	vmul.f32 v20, v20;
	v14 =	vadd.f32 v58, v14  }
0xe6: {  	v15 =	vadd.f32 v16, v15;
	v16 =	vmul.f32 v19, v27;
	v17 =	vadd.f32 v19, v17  }
0xe7: {  	v37 =	vshra.s32 v20, $0x1F;
	v19 =	vmul.f32 v58, v58;
	v14 =	vadd.f32 v60, v14  }
0xe8: {  	v15 =	vadd.f32 v16, v15;
	v16 =	vmul.f32 v61, v21;
	v17 =	vadd.f32 v61, v17  }
0xe9: {  	v22 =	vxor.u32 v25, v22;
	v63 =	vor.u32 $0x80000000, v37;
	v14 =	vadd.f32 v57, v14  }
0xea: {  	v43 =	vmul.f32 v19, v58;
	v15 =	vadd.f32 v16, v15;
	v17 =	vadd.f32 v19, v17  }
0xeb: {  	v41 =	vmul.f32 v36, v20;
	v16 =	vadd.f32 v20, v14;
	v14 =	vmin.f32 v18, v23  }
0xec: {  	v18 =	vmax.f32 v24, v23;
	v15 =	vadd.f32 v43, v15;
	v17 =	vadd.f32 v40, v17  }
0xed: {  	v23 =	vshra.s32 v58, $0x1F;
	v24 =	vshra.s32 v60, $0x1F;
	v14 =	vmin.f32 v14, v25  }
0xee: {  	v18 =	vmax.f32 v18, v25;
	v23 =	vor.u32 $0x80000000, v23;
	v24 =	vor.u32 $0x80000000, v24  }
0xef: {  	v25 =	vxor.u32 v27, v34;
	v14 =	vmin.f32 v14, v27;
	v18 =	vmax.f32 v18, v27  }
0xf0: {  	v15 =	vadd.f32 v62, v15;
	v17 =	vadd.f32 v39, v17;
	v23 =	vxor.u32 v58, v23  }
0xf1: {  	v27 =	vxor.u32 v60, v24;
	v24 =	vshrl.u32 v22, $0x11;
	v18 =	vmax.f32 v18, v21  }
0xf2: {  	[tilespmem:v53+s15+$0x0] =	vst.idx.add.f32.msk $0xffff, v2;
	v22 =	vshrl.u32 v25, $0x11;
	v14 =	vmin.f32 v14, v21;
	v18 =	vmax.f32 v18, v58  }
0xf3: {  	v14 =	vmin.f32 v14, v58;
	v15 =	vadd.f32 v42, v15;
	v18 =	vmax.f32 v18, v60  }
0xf4: {  	v14 =	vmin.f32 v14, v60;
	v19 =	vmax.f32 v18, v57;
	v18 =	vadd.f32 v36, v17  }
0xf5: {  	[tilespmem:v56+s15+$0x0] =	vst.idx.add.f32.msk $0xffff, v2;
	v17 =	vadd.f32 v41, v15;
	v15 =	vmax.f32 v19, v20;
	v19 =	vshra.s32 v21, $0x1F  }
0xf6: {  	[tilespmem:v54+s15+$0x0] =	vst.idx.add.f32.msk $0xffff, v2;
	v23 =	vshrl.u32 v23, $0x11;
	v14 =	vmin.f32 v14, v57;
	v19 =	vor.u32 $0x80000000, v19  }
0xf7: {  	v14 =	vmin.f32 v14, v20;
	v20 =	vxor.u32 v20, v63;
	v21 =	vxor.u32 v21, v19  }
0xf8: {  	s22 =	simm.s32 $0x8;
	s23 =	simm.s32 $0x8140;
	[tilespmem:v55+s15+$0x0] =	vst.idx.add.f32.msk $0xffff, v2;
	v19 =	vxor.u32 v57, v26;
	v25 =	vshrl.u32 v21, $0x11;
	v21 =	vshrl.u32 v27, $0x11  }
.LBB2_7:
0xf9: {  	v26 =	vld [tilespmem:s23+$0xFFFFFFC0];
	v13 =	vand.u32 $0x7FF0, v13;
	v27 =	vshrl.u32 v19, $0x11;
	v20 =	vshrl.u32 v20, $0x11  }
0xfa: {  	v24 =	vand.u32 $0x7FF0, v24;
	v22 =	vand.u32 $0x7FF0, v22;
	v25 =	vand.u32 $0x7FF0, v25;
	[tilespmem:v12+s15+$0x0] =	vst.idx.add.f32.msk $0xffff, v2  }
0xfb: {  	v21 =	vand.u32 $0x7FF0, v21;
	v12 =	vand.u32 $0x7FF0, v23;
	v23 =	vand.u32 $0x7FF0, v27;
	v19 =	vld [tilespmem:s23+$0xFFFFFFD0]  }
0xfc: {  	v27 =	vor.u32 v1, v13;
	v24 =	vor.u32 v1, v24;
	v13 =	vand.u32 $0x7FF0, v20;
	[tilespmem:v11+s15+$0x0] =	vst.idx.add.f32.msk $0xffff, v2  }
0xfd: {  	s22 =	sadd.s32 $0x8, s22;
	v22 =	vor.u32 v1, v22;
	v25 =	vor.u32 v1, v25;
	v28 =	vor.u32 v1, v12;
	v20 =	vld [tilespmem:s23+$0xFFFFFFE0]  }
0xfe: {  	p1 =	slt.u32 s22, $0x7F8;
	v30 =	vor.u32 v1, v21;
	v16 =	vadd.f32 v26, v16;
	v11 =	vshra.s32 v26, $0x1F;
	v29 =	vld [tilespmem:s23+$0x30]  }
0xff: {  	v12 =	vor.u32 v1, v23;
	v21 =	vor.u32 $0x80000000, v11;
	v31 =	vld [tilespmem:s23+$0xFFFFFFF0];
	v11 =	vor.u32 v1, v13  }
0x100: {  	v13 =	vxor.u32 v26, v21;
	v16 =	vadd.f32 v19, v16;
	v21 =	vshra.s32 v19, $0x1F;
	v23 =	vld [tilespmem:s23+$0x20]  }
0x101: {  	v13 =	vshrl.u32 v13, $0x11;
	v21 =	vor.u32 $0x80000000, v21;
	v32 =	vld [tilespmem:s23+$0x0]  }
0x102: {  	v33 =	vmul.f32 v26, v26;
	v16 =	vadd.f32 v20, v16;
	v34 =	vshra.s32 v20, $0x1F;
	v35 =	vld [tilespmem:s23+$0x10]  }
0x103: {  	v34 =	vor.u32 $0x80000000, v34;
	v36 =	vmul.f32 v29, v29;
	v37 =	vshra.s32 v29, $0x1F;
	[tilespmem:v27+s15+$0x0] =	vst.idx.add.f32.msk $0xffff, v2  }
0x104: {  	v38 =	vmul.f32 v19, v19;
	v27 =	vmul.f32 v33, v26;
	v16 =	vadd.f32 v31, v16  }
0x105: {  	v18 =	vadd.f32 v33, v18;
	v33 =	vmul.f32 v20, v20;
	v39 =	vmul.f32 v23, v23  }
0x106: {  	v17 =	vadd.f32 v27, v17;
	v27 =	vmul.f32 v38, v19;
	v16 =	vadd.f32 v32, v16  }
0x107: {  	v18 =	vadd.f32 v38, v18;
	v38 =	vmul.f32 v31, v31;
	v40 =	vmul.f32 v35, v35  }
0x108: {  	v17 =	vadd.f32 v27, v17;
	v27 =	vmul.f32 v33, v20;
	v16 =	vadd.f32 v35, v16  }
0x109: {  	v18 =	vadd.f32 v33, v18;
	v41 =	vmul.f32 v36, v29;
	v33 =	vmul.f32 v32, v32  }
0x10a: {  	v17 =	vadd.f32 v27, v17;
	v27 =	vmul.f32 v38, v31;
	v16 =	vadd.f32 v23, v16  }
0x10b: {  	v18 =	vadd.f32 v38, v18;
	v42 =	vmul.f32 v39, v23;
	v38 =	vmul.f32 v40, v35  }
0x10c: {  	v17 =	vadd.f32 v27, v17;
	v27 =	vmul.f32 v33, v32;
	v16 =	vadd.f32 v29, v16  }
0x10d: {  	v14 =	vmin.f32 v14, v26;
	v15 =	vmax.f32 v15, v26;
	v18 =	vadd.f32 v33, v18  }
0x10e: {  	v14 =	vmin.f32 v14, v19;
	v15 =	vmax.f32 v15, v19;
	v17 =	vadd.f32 v27, v17  }
0x10f: {  	v14 =	vmin.f32 v14, v20;
	v15 =	vmax.f32 v15, v20;
	v18 =	vadd.f32 v40, v18  }
0x110: {  	v14 =	vmin.f32 v14, v31;
	v15 =	vmax.f32 v15, v31;
	v17 =	vadd.f32 v38, v17  }
0x111: {  	v14 =	vmin.f32 v14, v32;
	v15 =	vmax.f32 v15, v32;
	v18 =	vadd.f32 v39, v18  }
0x112: {  	v14 =	vmin.f32 v14, v35;
	v15 =	vmax.f32 v15, v35;
	v17 =	vadd.f32 v42, v17  }
0x113: {  	v14 =	vmin.f32 v14, v23;
	v15 =	vmax.f32 v15, v23;
	v18 =	vadd.f32 v36, v18  }
0x114: {  	v14 =	vmin.f32 v14, v29;
	v15 =	vmax.f32 v15, v29;
	v17 =	vadd.f32 v41, v17  }
0x115: {  	v26 =	vshra.s32 v31, $0x1F;
	v33 =	vshra.s32 v35, $0x1F;
	v27 =	vshra.s32 v32, $0x1F;
	[tilespmem:v24+s15+$0x0] =	vst.idx.add.f32.msk $0xffff, v2  }
0x116: {  	v24 =	vor.u32 $0x80000000, v26;
	v26 =	vor.u32 $0x80000000, v27;
	v27 =	vshra.s32 v23, $0x1F;
	[tilespmem:v22+s15+$0x0] =	vst.idx.add.f32.msk $0xffff, v2  }
.Ltmp4:
0x117: {  	v22 =	vor.u32 $0x80000000, v33;
	v27 =	vor.u32 $0x80000000, v27;
	v33 =	vor.u32 $0x80000000, v37;
	[tilespmem:v25+s15+$0x0] =	vst.idx.add.f32.msk $0xffff, v2;
	(pc) =	sbr.rel @p1 .LBB2_7-.Ltmp4, $4  }
0x118: {  	v21 =	vxor.u32 v19, v21;
	v20 =	vxor.u32 v20, v34;
	v25 =	vxor.u32 v31, v24  }
0x119: {  	v26 =	vxor.u32 v32, v26;
	v31 =	vxor.u32 v35, v22;
	v19 =	vxor.u32 v23, v27  }
0x11a: {  	v24 =	vshrl.u32 v21, $0x11;
	v22 =	vshrl.u32 v20, $0x11;
	v20 =	vxor.u32 v29, v33;
	[tilespmem:v28+s15+$0x0] =	vst.idx.add.f32.msk $0xffff, v2  }
0x11b: {  	s23 =	sadd.s32 $0x80, s23;
	v23 =	vshrl.u32 v26, $0x11;
	v25 =	vshrl.u32 v25, $0x11;
	v21 =	vshrl.u32 v31, $0x11;
	[tilespmem:v30+s15+$0x0] =	vst.idx.add.f32.msk $0xffff, v2  }
0x11c: {  	v13 =	vand.u32 $0x7FF0, v13  }
0x11d: {  	v24 =	vand.u32 $0x7FF0, v24;
	v13 =	vor.u32 v1, v13  }
0x11e: {  	v22 =	vand.u32 $0x7FF0, v22;
	v24 =	vor.u32 v1, v24  }
0x11f: {  	v25 =	vand.u32 $0x7FF0, v25;
	v22 =	vor.u32 v1, v22  }
0x120: {  	[tilespmem:v12+s15+$0x0] =	vst.idx.add.f32.msk $0xffff, v2;
	v59 =	vand.u32 $0x7FF0, v23;
	v60 =	vor.u32 v1, v25  }
0x121: {  	v19 =	vshrl.u32 v19, $0x11;
	v21 =	vand.u32 $0x7FF0, v21;
	[tilespmem:v11+s15+$0x0] =	vst.idx.add.f32.msk $0xffff, v2;
	v11 =	vor.u32 v1, v59  }
0x122: {  	v61 =	vshrl.u32 v20, $0x11;
	v19 =	vand.u32 $0x7FF0, v19;
	v62 =	vor.u32 v1, v21;
	[tilespmem:v13+s15+$0x0] =	vst.idx.add.f32.msk $0xffff, v2  }
0x123: {  	v12 =	vand.u32 $0x7FF0, v61;
	v63 =	vor.u32 v1, v19;
	[tilespmem:v24+s15+$0x0] =	vst.idx.add.f32.msk $0xffff, v2  }
0x124: {  	v12 =	vor.u32 v1, v12;
	[tilespmem:v22+s15+$0x0] =	vst.idx.add.f32.msk $0xffff, v2  }
.Ltmp5:
0x125: {  	[tilespmem:v60+s15+$0x0] =	vst.idx.add.f32.msk $0xffff, v2;
	(pc) =	sbr.rel @p0 .LBB2_10-.Ltmp5, $4  }
0x126: {  	[tilespmem:v11+s15+$0x0] =	vst.idx.add.f32.msk $0xffff, v2  }
0x127: {  	v10 =	vadd.f32 v16, v10;
	[tilespmem:v62+s15+$0x0] =	vst.idx.add.f32.msk $0xffff, v2  }
0x128: {  	v9 =	vadd.f32 v18, v9;
	v8 =	vadd.f32 v17, v8;
	[tilespmem:v63+s15+$0x0] =	vst.idx.add.f32.msk $0xffff, v2  }
0x129: {  	v7 =	vmin.f32 v7, v14;
	v6 =	vmax.f32 v6, v15;
	[tilespmem:v12+s15+$0x0] =	vst.idx.add.f32.msk $0xffff, v2  }
.Ltmp6:
0x12a: {  	(pc) =	sbr.rel .LBB2_4-.Ltmp6, $4  }
0x12b: {  	s21 =	sadd.s32 s21, s7  }
0x12c: {  	s21 =	sshrl.u32 s21, $0x3  }
0x12d: {  	s20 =	sadd.s32 $0x1, s20;
	s21 =	sadd.s32 s1, s21  }
0x12e: {  	[tilespmem:s13], [sflag:$0x2] =	stream.strided.gather [hbm4b:s21+s11], $0x8000, s12, s11, $0x38;
	[tilespmem:$0x18080] =	vst v63  }
.LBB2_11:
0x12f: {  	_ =	sfence.sel $0x180000  }
0x130: {  	[bflag:$0x0] =	sbarrier.arrive $0xFFFF  }
0x131: {  	p0 =	sne.s32 s0, $0x0;
	_ =	strace $0x90000047  }
0x132: {  	s0 =	sadd.s32 @!p0 $0x100000, s2;
	[bflag:$0x2] =	sbarrier.arrive $0xFFFF  }
0x133: {  	[sflag:s0] =	ssyncadd.tile.s32 @!p0 $0x1;
	_ =	shalt  }
.Lfunc_end2:
_tile_overlayer_lowered:
.L_overlay_start_2:
0x134: {  	(tag) =	ssettag $0x2  }
0x135: {  	s0 =	rddreg [dreg:$0x0];
	s2 =	stileid.u32  }
0x136: {  	s1 =	rddreg [dreg:$0x1];
	p0 =	sne.s32 s2, $0x0  }
0x137: {  	s3 =	rddreg [dreg:$0x2];
	[bflag:$0x3] =	sbarrier.arrive $0xFFFF;
	s2 =	simm.s32 @!p0 $0x1C03  }
0x138: {  	[timem:s3], [sflag:s2] =	dma.local @!p0 [hbm:s0], s1  }
0x139: {  	s0 =	simm.s32 @!p0 $0x3  }
0x13a: {  	_ =	swait.ge @!p0 [sflag:s0], s1  }
0x13b: {  	s1 =	ssub.s32 @!p0 $0x0, s1;
	[sflag:s0] =	ssyncset.done @!p0 $0x0  }
0x13c: {  	[sflag:s0] =	ssyncadd.s32 @!p0 s1  }
0x13d: {  	[bflag:$0x3] =	sbarrier.arrive $0xFFFF  }
0x13e: {  	_ =	shalt  }

// kernel: kernel.7.cloned.1.call-start
scs
__scs_entry_jumppad:
0x0: {  	(pc) =	sbr.rel $0x88, $3  }
0x1: {  	(tag) =	ssettag $0x0;
	lr =	simm.s32 $0x1  }
0x2: {  	[smem:$0x3FA0] =	sst lr;
	_ =	strace $0xD0000000  }
0x3: {  	_ = 	snop  }
0x4: {  	_ = 	snop  }
0x5: {  	_ = 	snop  }
0x6: {  	_ = 	snop  }
0x7: {  	_ = 	snop  }
__scs_overlays_trampoline_lowered:
0x8: {  	[smem:$0x3FAF] =	sst s0  }
0x9: {  	[smem:$0x3FB0] =	sst s1  }
0xa: {  	[smem:$0x3FB1] =	sst s2  }
0xb: {  	[smem:$0x3FB2] =	sst s3  }
0xc: {  	[smem:$0x3FB3] =	sst s4  }
0xd: {  	[smem:$0x3FB4] =	sst s5  }
0xe: {  	[smem:$0x3FB5] =	sst s6  }
0xf: {  	[smem:$0x3FB6] =	sst s7  }
0x10: {  	[smem:$0x3FB7] =	sst s8  }
0x11: {  	[smem:$0x3FB8] =	sst s9;
	s0 =	simm.s32 @!p0 $0x0  }
0x12: {  	s1 =	sld [smem:$0x3F9E];
	s0 =	simm.s32 @p0 $0x1  }
0x13: {  	[smem:$0x3FB9] =	sst s0;
	s0 =	simm.s32 @!p1 $0x0  }
0x14: {  	s2 =	sld [smem:$0x3F9D];
	s0 =	simm.s32 @p1 $0x1  }
0x15: {  	[smem:$0x3FBA] =	sst s0;
	s0 =	simm.s32 @!p2 $0x0  }
0x16: {  	s3 =	sld [smem:$0x3FDB];
	s0 =	simm.s32 @p2 $0x1  }
0x17: {  	s4 =	simm.s32 $0x1BF5;
	[smem:$0x3FBC] =	sst s0  }
0x18: {  	s0 =	sld [smem:$0x3F9F];
	_ =	swait.ge [sflag:s4], $0x0  }
0x19: {  	s7 =	sld [smem:$0x3FA0]  }
0x1a: {  	s8 =	sadd.s32 $0xFFFFE003, lr  }
0x1b: {  	s9 =	sadd.s32 $0xFFFFFEF7, lr;
	s5 =	simm.s32 $0xFFFFFFFF;
	p2 =	slt.u32 s8, $0xFFFFF086  }
0x1c: {  	p1 =	slt.u32 s9, $0xF7A;
	s5 =	simm.s32 @!p2 $0x0  }
0x1d: {  	s5 =	simm.s32 @p1 $0x1;
	p0 =	seq.s32 s7, s2  }
0x1e: {  	s7 =	smul.u32 @!p0 $0xF7A, s2;
	p2 =	seq.s32 @!p0 s5, $0x0  }
0x1f: {  	s9 =	smul.u32 $0xF7A, s1;
	s8 =	simm.s32 @!p0 $0x1BF5;
	p2 =	por !p2, p0  }
0x20: {  	[sflag:s8] =	ssyncset.s32 @!p0 $0xFFFFF086;
	s6 =	sadd.s32 @!p0 s3, s7;
	s7 =	simm.s32 @!p0 $0x108  }
0x21: {  	s3 =	sadd.s32 s3, s9;
	s6 =	sadd.s32 @!p0 $0x88, s6;
	s7 =	simm.s32 @p2 $0x1082  }
0x22: {  	[simem:s7], [sflag:s8] =	dma.local @!p0 [hbm:s6], $0xF7A  }
0x23: {  	s9 =	sor.u32 $0xD0000000, s2;
	s6 =	simm.s32 $0x108;
	_ =	swait.ge @!p0 [sflag:s8], $0x0  }
0x24: {  	s3 =	sadd.s32 $0x88, s3;
	s6 =	simm.s32 @!p1 $0x1082;
	[sflag:s4] =	ssyncset.s32 $0xFFFFF086  }
0x25: {  	[simem:s6], [sflag:s4] =	dma.local [hbm:s3], $0xF7A  }
0x26: {  	[smem:$0x3FA0] =	sst s1;
	(tag) =	ssettag s2;
	_ =	strace s9  }
0x27: {  	s1 =	sld [smem:$0x3FB0]  }
0x28: {  	s2 =	sld [smem:$0x3FB1]  }
0x29: {  	s4 =	sld [smem:$0x3FB3]  }
0x2a: {  	p0 =	seq.s32 s5, $0x0;
	s5 =	sld [smem:$0x3FB4]  }
0x2b: {  	s6 =	sld [smem:$0x3FB5]  }
0x2c: {  	s7 =	sld [smem:$0x3FB6]  }
0x2d: {  	s3 =	simm.s32 $0x108;
	s8 =	sld [smem:$0x3FB7]  }
0x2e: {  	s3 =	simm.s32 @!p0 $0x1082;
	s9 =	sld [smem:$0x3FB8]  }
0x2f: {  	lr =	sadd.s32 s0, s3;
	s0 =	sld [smem:$0x3FAF]  }
0x30: {  	s3 =	sld [smem:$0x3FB2]  }
0x31: {  	[smem:$0x3FBB] =	sst s10  }
0x32: {  	s10 =	sld [smem:$0x3FB9];
	_ =	sdelay $0x3  }
0x33: {  	p0 =	seq.s32 s10, $0x1;
	s10 =	sld [smem:$0x3FBB];
	_ =	sdelay $0x3  }
0x34: {  	[smem:$0x3FBB] =	sst s10  }
0x35: {  	s10 =	sld [smem:$0x3FBA];
	_ =	sdelay $0x3  }
0x36: {  	p1 =	seq.s32 s10, $0x1;
	s10 =	sld [smem:$0x3FBB];
	_ =	sdelay $0x3  }
0x37: {  	[smem:$0x3FBB] =	sst s10  }
0x38: {  	s10 =	sld [smem:$0x3FBC]  }
0x39: {  	_ = 	snop;
	(pc) =	sbr.ind lr, $3  }
0x3a: {  	_ = 	snop  }
0x3b: {  	_ = 	snop  }
0x3c: {  	p2 =	seq.s32 s10, $0x1;
	s10 =	sld [smem:$0x3FBB]  }
0x3d: {  	_ =	shalt  }
0x3e: {  	_ =	shalt  }
0x3f: {  	_ =	shalt  }
0x40: {  	_ =	shalt  }
0x41: {  	_ =	shalt  }
0x42: {  	_ =	shalt  }
0x43: {  	_ =	shalt  }
0x44: {  	_ =	shalt  }
0x45: {  	_ =	shalt  }
0x46: {  	_ =	shalt  }
0x47: {  	_ =	shalt  }
0x48: {  	_ =	shalt  }
0x49: {  	_ =	shalt  }
0x4a: {  	_ =	shalt  }
0x4b: {  	_ =	shalt  }
0x4c: {  	_ =	shalt  }
0x4d: {  	_ =	shalt  }
0x4e: {  	_ =	shalt  }
0x4f: {  	_ =	shalt  }
0x50: {  	_ =	shalt  }
0x51: {  	_ =	shalt  }
0x52: {  	_ =	shalt  }
0x53: {  	_ =	shalt  }
0x54: {  	_ =	shalt  }
0x55: {  	_ =	shalt  }
0x56: {  	_ =	shalt  }
0x57: {  	_ =	shalt  }
0x58: {  	_ =	shalt  }
0x59: {  	_ =	shalt  }
0x5a: {  	_ =	shalt  }
0x5b: {  	_ =	shalt  }
0x5c: {  	_ =	shalt  }
0x5d: {  	_ =	shalt  }
0x5e: {  	_ =	shalt  }
0x5f: {  	_ =	shalt  }
0x60: {  	_ =	shalt  }
0x61: {  	_ =	shalt  }
0x62: {  	_ =	shalt  }
0x63: {  	_ =	shalt  }
0x64: {  	_ =	shalt  }
0x65: {  	_ =	shalt  }
0x66: {  	_ =	shalt  }
0x67: {  	_ =	shalt  }
0x68: {  	_ =	shalt  }
0x69: {  	_ =	shalt  }
0x6a: {  	_ =	shalt  }
0x6b: {  	_ =	shalt  }
0x6c: {  	_ =	shalt  }
0x6d: {  	_ =	shalt  }
0x6e: {  	_ =	shalt  }
0x6f: {  	_ =	shalt  }
0x70: {  	_ =	shalt  }
0x71: {  	_ =	shalt  }
0x72: {  	_ =	shalt  }
0x73: {  	_ =	shalt  }
0x74: {  	_ =	shalt  }
0x75: {  	_ =	shalt  }
0x76: {  	_ =	shalt  }
0x77: {  	_ =	shalt  }
0x78: {  	_ =	shalt  }
0x79: {  	_ =	shalt  }
0x7a: {  	_ =	shalt  }
0x7b: {  	_ =	shalt  }
0x7c: {  	_ =	shalt  }
0x7d: {  	_ =	shalt  }
0x7e: {  	_ =	shalt  }
0x7f: {  	_ =	shalt  }
0x80: {  	_ =	shalt  }
0x81: {  	_ =	shalt  }
0x82: {  	_ =	shalt  }
0x83: {  	_ =	shalt  }
0x84: {  	_ =	shalt  }
0x85: {  	_ =	shalt  }
0x86: {  	_ =	shalt  }
0x87: {  	_ =	shalt  }
.Lfunc_end0:
.L_simem_size_0:
called_computation.1_lowered:
.L_overlay_start_0:
0x88: {  	s2 =	sld [smem:$0x3FD9]  }
0x89: {  	s3 =	sld [smem:$0x3FFE];
	_ =	sdelay $0x1  }
0x8a: {  	s1 =	srdreg.scid  }
0x8b: {  	s0 =	sand.u32 $0x1, s1  }
0x8c: {  	s17 =	sshll.u32 s0, $0xA;
	s2 =	sadd.s32 s3, s2  }
0x8d: {  	s2 =	sadd.s32 s2, s17  }
0x8e: {  	[smem:$0x3FC7] =	sst s2  }
0x8f: {  	_ = 	snop  }
0x90: {  	s2 =	sld [smem:$0x3FC9]  }
0x91: {  	s18 =	sld [smem:$0x3FD0];
	(tm) =	ssettm $0x1  }
0x92: {  	s4 =	sld [smem:$0x3FFB];
	_ =	sdelay $0x3  }
0x93: {  	_ =	strace s4  }
0x94: {  	s4 =	sld [smem:$0x3FFC];
	_ =	sdelay $0x3  }
0x95: {  	_ =	strace s4  }
0x96: {  	s4 =	sld [smem:$0x3FFD];
	_ =	sdelay $0x3  }
0x97: {  	_ =	strace s4  }
0x98: {  	_ =	strace $0x8FFFFFFF  }
0x99: {  	s19 =	sld [smem:$0x3FDB];
	_ =	sdelay $0x1  }
0x9a: {  	s5 =	simm.s32 $_scs_section_size  }
0x9b: {  	s6 =	simm.s32 $_size__tile_overlayer_lowered;
	s7 =	simm.s32 $_tile_overlayer_lowered  }
0x9c: {  	s22 =	simm.s32 $0x1BFF;
	s21 =	sshll.u32 s7, $0x1;
	s4 =	sadd.s32 s5, s19  }
0x9d: {  	s8 =	simm.s32 $0x0;
	s20 =	sshll.u32 s6, $0x1;
	s6 =	sadd.s32 s21, s4  }
0x9e: {  	[timem:s8], [sflag:s22] =	dma.local [hbm:s6], s20  }
0x9f: {  	_ =	swait.ge [sflag:s22], s20  }
0xa0: {  	s5 =	ssub.s32 $0x0, s20;
	[sflag:s22] =	ssyncset.done $0x0  }
0xa1: {  	[sflag:s22] =	ssyncadd.s32 s5;
	_ =	sdelay $0x1  }
0xa2: {  	s23 =	simm.s32 $0x1B8B  }
0xa3: {  	_ =	swait.ge [sflag:s23], $0x1  }
0xa4: {  	[sflag:s23] =	ssyncset.done $0x0  }
0xa5: {  	s25 =	simm.s32 $0x1B8E;
	s24 =	sld [smem:$0x3FFE];
	[sflag:s23] =	ssyncadd.s32 $0xFFFFFFFF  }
0xa6: {  	s26 =	simm.s32 $execute0_lowered;
	[smem:$0x3FD2] =	sst s25  }
0xa7: {  	s6 =	sshll.u32 s26, $0x1;
	_ =	strace $0x80000049;
	[dreg:$0x1] =	wrdreg $0xFFFFFFFF  }
0xa8: {  	s28 =	simm.s32 $_size_execute0_lowered;
	s4 =	sadd.s32 s4, s6;
	[dreg:$0x0] =	wrdreg $0x0  }
0xa9: {  	s6 =	sshll.u32 s28, $0x1;
	[dreg:$0x2] =	wrdreg s4  }
0xaa: {  	[dreg:$0x3] =	wrdreg s6  }
0xab: {  	[dreg:$0x4] =	wrdreg $0xC0  }
0xac: {  	_ =	task [dreg:s8], $0x5FFFF  }
0xad: {  	[dreg:$0x1] =	wrdreg $0xFFFFFFFF  }
0xae: {  	[dreg:$0x0] =	wrdreg $0x60  }
0xaf: {  	[dreg:$0x2] =	wrdreg s2  }
0xb0: {  	[dreg:$0x3] =	wrdreg s24  }
0xb1: {  	[dreg:$0x4] =	wrdreg s18  }
0xb2: {  	[dreg:$0x5] =	wrdreg $0x9  }
0xb3: {  	_ =	task.clear_ibuf [dreg:s8], $0x6FFFF;
	_ =	strace $0x90000049  }
0xb4: {  	s29 =	simm.s32 $0x9;
	_ =	strace $0x8000004B  }
0xb5: {  	_ =	swait.ge [sflag:s29], $0x1  }
0xb6: {  	[sflag:s29] =	ssyncadd.s32 $0xFFFFFFFF  }
0xb7: {  	_ =	strace $0x9000004B  }
0xb8: {  	_ =	sfence  }
0xb9: {  	s30 =	sld [smem:$0x0];
	_ =	sdelay $0x2  }
0xba: {  	s31 =	sshll.u32 s1, $0xD;
	s1 =	sshrl.u32 s1, $0x2  }
0xbb: {  	s3 =	sand.u32 $0x4000, s31;
	s1 =	sadd.s32 s1, s30  }
0xbc: {  	s0 =	sor.u32 s3, s0;
	s1 =	sshll.u32 s1, $0x11  }
0xbd: {  	s0 =	sor.u32 s1, s0  }
0xbe: {  	s0 =	sadd.s32 $0x8F2B, s0  }
0xbf: {  	[sflag:s0] =	ssyncadd.remote.s32 $0x1  }
0xc0: {  	_ =	sfence.sel $0xFFFF  }
0xc1: {  	[dreg:$0x0] =	wrdreg $0xFFFFFFFF;
	(pc) =	sbr.abs _section_cstart, $3  }
0xc2: {  	[dreg:$0x1] =	wrdreg $0xFFFFFFFF  }
0xc3: {  	_ =	task.clear_ibuf [dreg:s8], $0x2FFFF;
	_ =	strace $0x9FFFFFFF  }
0xc4: {  	(tm) =	ssettm $0x7FFFFFFF  }
0xc5: {  	_ =	shalt  }
tec
execute0_lowered:
.L_overlay_start_1:
0x0: {  	(tag) =	ssettag $0x1  }
0x1: {  	s1 =	rddreg [dreg:$0x0]  }
0x2: {  	s0 =	srdreg.scid;
	s2 =	rddreg [dreg:$0x1]  }
0x3: {  	s5 =	stileid.u32;
	s13 =	rddreg [dreg:$0x2]  }
0x4: {  	s18 =	simm.s32 $0x3;
	s28 =	simm.s32 $0x10000;
	s29 =	simm.s32 $0x10680  }
0x5: {  	s30 =	simm.s32 $0x2;
	s31 =	simm.s32 $0x18680;
	s0 =	sand.u32 $0x1, s0  }
0x6: {  	s10 =	sadd.s32 $0x200, s2;
	s3 =	sshll.u32 s0, $0x4;
	s0 =	ssub.s32 $0x2, s0  }
0x7: {  	s4 =	sor.u32 s5, s3;
	s3 =	simm.s32 $0x0;
	s5 =	sshll.u32 s5, $0x7  }
0x8: {  	s22 =	sshrl.u32 s0, $0x1;
	s7 =	sshrl.u32 s4, $0x3;
	[smem:$0x7FF] =	sst s3  }
0x9: {  	s9 =	sand.u32 $0x380, s5;
	s23 =	sshll.u32 s4, $0x1;
	s4 =	sshll.u32 s4, $0x14  }
0xa: {  	s0 =	ssub.s32 s0, s22;
	s6 =	smul.u32 $0x3400, s7;
	s8 =	sshll.u32 s7, $0x12  }
0xb: {  	_ =	strace $0x8000004A;
	s11 =	sor.u32 $0x40, s23;
	s24 =	sor.u32 s5, s4  }
0xc: {  	s4 =	sadd.s32 s10, s23;
	s16 =	sshll.u32 s7, $0xA;
	s7 =	sadd.s32 s2, s23  }
0xd: {  	s23 =	simm.s32 $0x80;
	s8 =	sor.u32 s9, s8;
	s5 =	sadd.s32 s10, s11  }
0xe: {  	s12 =	sand.u32 $0x1800380, s24;
	s16 =	sor.u32 s9, s16;
	s24 =	simm.s32 $0x400  }
0xf: {  	s6 =	sor.u32 s9, s6;
	s8 =	sshrl.u32 s8, $0x3;
	s25 =	sshrl.u32 s12, $0x3  }
0x10: {  	s9 =	sadd.s32 s2, s11;
	s26 =	sshrl.u32 s16, $0x3;
	s11 =	sor.u32 $0x80000, s12  }
.Ltmp0:
0x11: {  	s12 =	sor.u32 $0xC0000, s12;
	s16 =	smax.u32 s0, $0x1;
	(pc) =	sbr.rel .LBB2_1-.Ltmp0, $4  }
0x12: {  	s6 =	sshrl.u32 s6, $0x3;
	s15 =	sadd.s32 s8, s2;
	s8 =	sadd.s32 s1, s25  }
0x13: {  	s13 =	sadd.s32 s13, s26;
	s25 =	simm.s32 $0x8000;
	s26 =	simm.s32 $0x1  }
0x14: {  	v0 =	vimm.f32 $0.0e+00;
	v1 =	vlaneseq.u32;
	s14 =	sadd.s32 s6, s2;
	s6 =	sadd.s32 $0x80, s4;
	s10 =	sadd.s32 $0x8000, s8  }
0x15: {  	v2 =	vimm.f32 $1.000000000e+00;
	v3 =	vimm.s32 $0x0;
	v9 =	vimm.f32 $0.0e+00;
	s15 =	sadd.s32 $0x1E00, s15;
	s2 =	simm.s32 $0x0;
	s14 =	sadd.s32 $0x400, s14  }
.LBB2_14:
0x16: {  	[tilespmem:$0x18680] =	vst v10  }
0x17: {  	[tilespmem:$0x18690] =	vst v0  }
0x18: {  	[hbm4b:s13+s3] =	stream.linear.scatter [tilespmem:s31], [sflag:$0x3], $0x80, $0x38;
	[tilespmem:$0x18800] =	vst v63  }
0x19: {  	_ =	swait.ge [sflag:s18], $0x80  }
0x1a: {  	[sflag:s18] =	ssyncset.done $0x0  }
0x1b: {  	[sflag:s18] =	ssyncadd.s32 $0xFFFFFF80  }
0x1c: {  	[hbm4b:s14+s23] =	stream.strided.scatter [tilespmem:s28], [sflag:$0x3], $0x680, s24, s23, $0x38;
	[tilespmem:$0x18800] =	vst v63  }
0x1d: {  	s2 =	sadd.s32 $0x1, s2;
	_ =	swait.ge [sflag:s18], $0x680  }
0x1e: {  	p0 =	sne.s32 s2, s16;
	[sflag:s18] =	ssyncset.done $0x0  }
.Ltmp1:
0x1f: {  	[sflag:s18] =	ssyncadd.s32 $0xFFFFF980;
	(pc) =	sbr.rel @!p0 .LBB2_15-.Ltmp1, $4  }
0x20: {  	[hbm4b:s15+s23] =	stream.strided.scatter [tilespmem:s29], [sflag:$0x3], $0x8000, s24, s23, $0x38;
	[tilespmem:$0x18800] =	vst v63  }
0x21: {  	_ =	swait.ge [sflag:s18], $0x8000  }
0x22: {  	[sflag:s18] =	ssyncset.done $0x0  }
0x23: {  	[sflag:s18] =	ssyncadd.s32 $0xFFFF8000  }
.LBB2_1:
0x24: {  	s0 =	simm.s32 $0x18700  }
0x25: {  	[tilespmem:s0], [sflag:$0x3] =	stream.linear.gather [hbm4b:s4+s3], $0x10, $0x38;
	[tilespmem:$0x18800] =	vst v63  }
0x26: {  	_ =	swait.ge [sflag:s18], $0x10  }
0x27: {  	[sflag:s18] =	ssyncset.done $0x0  }
0x28: {  	s19 =	simm.s32 $0x18710;
	[sflag:s18] =	ssyncadd.s32 $0xFFFFFFF0  }
0x29: {  	[tilespmem:s19], [sflag:$0x3] =	stream.linear.gather [hbm4b:s5+s3], $0x10, $0x38;
	[tilespmem:$0x18800] =	vst v63  }
0x2a: {  	_ =	swait.ge [sflag:s18], $0x10  }
0x2b: {  	[sflag:s18] =	ssyncset.done $0x0  }
0x2c: {  	s20 =	simm.s32 $0x18720;
	[sflag:s18] =	ssyncadd.s32 $0xFFFFFFF0  }
0x2d: {  	[tilespmem:s20], [sflag:$0x3] =	stream.linear.gather [hbm4b:s6+s3], $0x10, $0x38;
	[tilespmem:$0x18800] =	vst v63  }
0x2e: {  	_ =	swait.ge [sflag:s18], $0x10  }
0x2f: {  	[sflag:s18] =	ssyncset.done $0x0  }
0x30: {  	s21 =	simm.s32 $0x18780;
	[sflag:s18] =	ssyncadd.s32 $0xFFFFFFF0  }
0x31: {  	[tilespmem:s21], [sflag:$0x3] =	stream.linear.gather [hbm4b:s7+s3], $0x10, $0x38;
	[tilespmem:$0x18800] =	vst v63  }
0x32: {  	_ =	swait.ge [sflag:s18], $0x10  }
0x33: {  	[sflag:s18] =	ssyncset.done $0x0  }
0x34: {  	s22 =	simm.s32 $0x18790;
	[sflag:s18] =	ssyncadd.s32 $0xFFFFFFF0  }
0x35: {  	[tilespmem:s22], [sflag:$0x3] =	stream.linear.gather [hbm4b:s9+s3], $0x10, $0x38;
	[tilespmem:$0x18800] =	vst v63  }
0x36: {  	_ =	swait.ge [sflag:s18], $0x10  }
0x37: {  	[sflag:s18] =	ssyncset.done $0x0  }
0x38: {  	[sflag:s18] =	ssyncadd.s32 $0xFFFFFFF0  }
0x39: {  	v4 =	vld [tilespmem:$0x18700]  }
0x3a: {  	v5 =	vld [tilespmem:$0x18710]  }
0x3b: {  	v6 =	vld [tilespmem:$0x18720]  }
0x3c: {  	s0 =	simm.s32 $0x10040;
	v7 =	vld [tilespmem:$0x18780]  }
0x3d: {  	v8 =	vld [tilespmem:$0x18790];
	[tilespmem:s0+$0xFFFFFFC0] =	vst v0  }
0x3e: {  	[tilespmem:s0+$0x30] =	vst v0  }
0x3f: {  	[tilespmem:s0+$0x20] =	vst v0  }
0x40: {  	[tilespmem:s0+$0x10] =	vst v0  }
0x41: {  	[tilespmem:s0+$0x0] =	vst v0  }
0x42: {  	[tilespmem:s0+$0xFFFFFFF0] =	vst v0  }
0x43: {  	s17 =	simm.s32 $0x0;
	[tilespmem:s0+$0xFFFFFFE0] =	vst v0  }
.LBB2_2:
0x44: {  	s17 =	sadd.s32 $0x8, s17;
	[tilespmem:s0+$0xFFFFFFD0] =	vst v0;
	s0 =	sadd.s32 $0x80, s0  }
0x45: {  	[tilespmem:s0+$0xFFFFFFC0] =	vst v0;
	p0 =	slt.u32 s17, $0x58  }
0x46: {  	[tilespmem:s0+$0x30] =	vst v0  }
.Ltmp2:
0x47: {  	[tilespmem:s0+$0x20] =	vst v0;
	(pc) =	sbr.rel @p0 .LBB2_2-.Ltmp2, $4  }
0x48: {  	[tilespmem:s0+$0x10] =	vst v0  }
0x49: {  	[tilespmem:s0+$0x0] =	vst v0  }
0x4a: {  	[tilespmem:s0+$0xFFFFFFF0] =	vst v0  }
0x4b: {  	[tilespmem:s0+$0xFFFFFFE0] =	vst v0  }
0x4c: {  	[tilespmem:s0+$0xFFFFFFD0] =	vst v0;
	s0 =	simm.s32 $0x0  }
.LBB2_4:
0x4d: {  	p0 =	sne.s32 s0, $0xC0  }
.Ltmp3:
0x4e: {  	_ = 	snop;
	(pc) =	sbr.rel @p0 .LBB2_4-.Ltmp3, $3  }
0x4f: {  	_ =	sdelay $0x1  }
0x50: {  	s17 =	sshra.s32 s0, $0x2  }
0x51: {  	s0 =	sadd.s32 $0x40, s0;
	[tilespmem:s17+$0x10600] =	vst v0  }
0x52: {  	s0 =	simm.s32 $0x106C0  }
0x53: {  	[tilespmem:s0+$0xFFFFFFC0] =	vst v0  }
0x54: {  	[tilespmem:s0+$0x30] =	vst v0  }
0x55: {  	[tilespmem:s0+$0x20] =	vst v0  }
0x56: {  	[tilespmem:s0+$0x10] =	vst v0  }
0x57: {  	[tilespmem:s0+$0x0] =	vst v0  }
0x58: {  	[tilespmem:s0+$0xFFFFFFF0] =	vst v0  }
0x59: {  	s17 =	simm.s32 $0x0;
	[tilespmem:s0+$0xFFFFFFE0] =	vst v0  }
.LBB2_6:
0x5a: {  	s17 =	sadd.s32 $0x8, s17;
	[tilespmem:s0+$0xFFFFFFD0] =	vst v0;
	s0 =	sadd.s32 $0x80, s0  }
0x5b: {  	[tilespmem:s0+$0xFFFFFFC0] =	vst v0;
	p0 =	slt.u32 s17, $0x7F8  }
0x5c: {  	[tilespmem:s0+$0x30] =	vst v0  }
.Ltmp4:
0x5d: {  	[tilespmem:s0+$0x20] =	vst v0;
	(pc) =	sbr.rel @p0 .LBB2_6-.Ltmp4, $4  }
0x5e: {  	[tilespmem:s0+$0x10] =	vst v0  }
0x5f: {  	[tilespmem:s0+$0x0] =	vst v0  }
0x60: {  	[tilespmem:s0+$0xFFFFFFF0] =	vst v0  }
0x61: {  	[tilespmem:s0+$0xFFFFFFE0] =	vst v0  }
0x62: {  	[tilespmem:s0+$0xFFFFFFD0] =	vst v0;
	s0 =	simm.s32 $0x0  }
0x63: {  	[tilespmem:s0], [sflag:$0x1] =	stream.strided.gather [hbm4b:s8+s23], $0x8000, s24, s23, $0x38;
	[tilespmem:$0x18800] =	vst v63  }
0x64: {  	_ = 	snop  }
0x65: {  	v10 =	vimm.f32 $0.0e+00;
	[tilespmem:s25], [sflag:$0x2] =	stream.strided.gather [hbm4b:s10+s23], $0x8000, s24, s23, $0x38;
	[tilespmem:$0x18800] =	vst v63  }
.LBB2_8:
0x66: {  	_ =	swait.ge [sflag:s26], $0x8000  }
0x67: {  	[sflag:s26] =	ssyncset.done $0x0  }
0x68: {  	s17 =	simm.s32 $0x40;
	[sflag:s26] =	ssyncadd.s32 $0xFFFF8000  }
0x69: {  	v12 =	vld [tilespmem:s17+$0xFFFFFFC0]  }
0x6a: {  	v13 =	vld [tilespmem:s17+$0xFFFFFFD0]  }
0x6b: {  	v14 =	vld [tilespmem:s17+$0xFFFFFFE0]  }
0x6c: {  	v17 =	vld [tilespmem:s17+$0xFFFFFFF0]  }
0x6d: {  	v21 =	vld [tilespmem:s17+$0x0]  }
0x6e: {  	v24 =	vld [tilespmem:s17+$0x10]  }
0x6f: {  	v27 =	vld [tilespmem:s17+$0x20];
	v11 =	vsub.f32 v12, v4  }
0x70: {  	v30 =	vld [tilespmem:s17+$0x30];
	v15 =	vshra.s32 v12, $0x1F;
	v16 =	vmul.f32 v12, v5;
	v18 =	vsub.f32 v13, v4  }
0x71: {  	v19 =	vmul.f32 v13, v5;
	v20 =	vshra.s32 v13, $0x1F;
	v22 =	vsub.f32 v14, v4  }
0x72: {  	v23 =	vmul.f32 v14, v5;
	v25 =	vsub.f32 v17, v4;
	v26 =	vmul.f32 v17, v5  }
0x73: {  	v28 =	vsub.f32 v21, v4;
	v29 =	vmul.f32 v21, v5;
	v31 =	vsub.f32 v24, v4  }
0x74: {  	v32 =	vmul.f32 v24, v5;
	v33 =	vsub.f32 v27, v4;
	v34 =	vmul.f32 v27, v5  }
0x75: {  	v54 =	vshra.s32 v27, $0x1F;
	v35 =	vsub.f32 v30, v4;
	v36 =	vmul.f32 v30, v5  }
0x76: {  	v56 =	vshra.s32 v30, $0x1F;
	v15 =	vor.u32 $0x80000000, v15;
	v20 =	vor.u32 $0x80000000, v20  }
0x77: {  	v11 =	vand.u32 $0x7FFFFFFF, v11;
	v16 =	vadd.f32 v16, v6;
	v18 =	vand.u32 $0x7FFFFFFF, v18  }
0x78: {  	v22 =	vand.u32 $0x7FFFFFFF, v22;
	v25 =	vand.u32 $0x7FFFFFFF, v25;
	v28 =	vand.u32 $0x7FFFFFFF, v28  }
0x79: {  	v31 =	vand.u32 $0x7FFFFFFF, v31;
	v33 =	vand.u32 $0x7FFFFFFF, v33;
	v55 =	vadd.f32 v34, v6  }
0x7a: {  	v35 =	vand.u32 $0x7FFFFFFF, v35;
	v36 =	vadd.f32 v36, v6;
	v11 =	vadd.f32 v11, v9  }
0x7b: {  	v34 =	vor.u32 $0x80000000, v56;
	v12 =	vxor.u32 v12, v15;
	v13 =	vxor.u32 v13, v20  }
0x7c: {  	v16 =	vtrunc.f32 v16;
	v57 =	vtrunc.f32 v36;
	v11 =	vadd.f32 v18, v11  }
0x7d: {  	v18 =	vadd.f32 v19, v6;
	v19 =	vshra.s32 v14, $0x1F;
	v16 =	vcvt.f32.s32 v16  }
0x7e: {  	v19 =	vor.u32 $0x80000000, v19;
	v11 =	vadd.f32 v22, v11;
	v22 =	vadd.f32 v23, v6  }
0x7f: {  	v23 =	vshra.s32 v17, $0x1F;
	v18 =	vtrunc.f32 v18;
	v14 =	vxor.u32 v14, v19  }
0x80: {  	vm8 =	vlt.s32 v16, $0x63;
	v23 =	vor.u32 $0x80000000, v23;
	v15 =	vcvt.f32.s32 v18  }
0x81: {  	v16 =	vnsel vm8, $0x63, v16;
	v11 =	vadd.f32 v25, v11;
	v25 =	vadd.f32 v26, v6  }
0x82: {  	v26 =	vshra.s32 v21, $0x1F;
	v22 =	vtrunc.f32 v22;
	v17 =	vxor.u32 v17, v23  }
0x83: {  	v16 =	vshll.u32 v16, $0x4;
	v26 =	vor.u32 $0x80000000, v26;
	v18 =	vcvt.f32.s32 v22  }
0x84: {  	vm9 =	vlt.s32 v15, $0x63;
	v11 =	vadd.f32 v28, v11;
	v28 =	vadd.f32 v29, v6  }
0x85: {  	v29 =	vshra.s32 v24, $0x1F;
	v25 =	vtrunc.f32 v25;
	v21 =	vxor.u32 v21, v26  }
0x86: {  	v15 =	vnsel vm9, $0x63, v15;
	v29 =	vor.u32 $0x80000000, v29;
	v20 =	vcvt.f32.s32 v25  }
0x87: {  	v25 =	vcvt.f32.s32 v57;
	v58 =	vshrl.u32 v21, $0x15;
	vm10 =	vlt.s32 v18, $0x63  }
0x88: {  	v21 =	vshrl.u32 v21, $0x7;
	v15 =	vshll.u32 v15, $0x4;
	v11 =	vadd.f32 v31, v11  }
0x89: {  	v31 =	vadd.f32 v32, v6;
	v28 =	vtrunc.f32 v28;
	v32 =	vor.u32 $0x80000000, v54  }
0x8a: {  	v24 =	vxor.u32 v24, v29;
	v29 =	vxor.u32 v30, v34;
	v30 =	vshrl.u32 v14, $0x15  }
0x8b: {  	vm3 =	veq.s32 v58, v8;
	v14 =	vshrl.u32 v14, $0x7;
	v18 =	vnsel vm10, $0x63, v18  }
0x8c: {  	v21 =	vand.u32 $0x3FF0, v21;
	v19 =	vcvt.f32.s32 v28;
	v26 =	vxor.u32 v27, v32  }
0x8d: {  	v27 =	vshrl.u32 v12, $0x15;
	v28 =	vshrl.u32 v13, $0x15;
	v59 =	vshrl.u32 v24, $0x15  }
0x8e: {  	v61 =	vshrl.u32 v29, $0x15;
	vm11 =	vlt.s32 v20, $0x63;
	vm15 =	vlt.s32 v25, $0x63  }
0x8f: {  	vm6 =	veq.s32 v30, v8;
	v12 =	vshrl.u32 v12, $0x7;
	v13 =	vshrl.u32 v13, $0x7  }
0x90: {  	v24 =	vshrl.u32 v24, $0x7;
	v29 =	vshrl.u32 v29, $0x7;
	v40 =	vsel vm3, $0x4000, v3  }
0x91: {  	v14 =	vand.u32 $0x3FF0, v14;
	v45 =	vshll.u32 v18, $0x4;
	v11 =	vadd.f32 v33, v11  }
0x92: {  	v31 =	vtrunc.f32 v31;
	v33 =	vtrunc.f32 v55;
	v60 =	vshrl.u32 v26, $0x15  }
0x93: {  	vm5 =	veq.s32 v27, v8;
	vm7 =	veq.s32 v28, v8;
	vm2 =	veq.s32 v59, v8  }
0x94: {  	vm1 =	veq.s32 v61, v8;
	v26 =	vshrl.u32 v26, $0x7;
	v20 =	vnsel vm11, $0x63, v20  }
0x95: {  	v25 =	vnsel vm15, $0x63, v25;
	v38 =	vsel vm6, $0x4000, v3;
	v12 =	vand.u32 $0x3FF0, v12  }
0x96: {  	v13 =	vand.u32 $0x3FF0, v13;
	v24 =	vand.u32 $0x3FF0, v24;
	v29 =	vand.u32 $0x3FF0, v29  }
0x97: {  	v21 =	vor.u32 v40, v21;
	vm15 =	veq.s32 v28, v7;
	vm11 =	veq.s32 v58, v7  }
0x98: {  	vm10 =	veq.s32 v59, v7;
	vm8 =	veq.s32 v61, v7;
	v28 =	vor.u32 v1, v16  }
0x99: {  	v22 =	vcvt.f32.s32 v31;
	v23 =	vcvt.f32.s32 v33;
	v31 =	vshrl.u32 v17, $0x15  }
0x9a: {  	vm12 =	vlt.s32 v19, $0x63;
	vm0 =	veq.s32 v60, v8;
	v17 =	vshrl.u32 v17, $0x7  }
0x9b: {  	v62 =	vsel vm5, $0x4000, v3;
	v37 =	vsel vm7, $0x4000, v3;
	v41 =	vsel vm2, $0x4000, v3  }
0x9c: {  	v43 =	vsel vm1, $0x4000, v3;
	v44 =	vand.u32 $0x3FF0, v26;
	v46 =	vshll.u32 v20, $0x4  }
0x9d: {  	v49 =	vshll.u32 v25, $0x4;
	v25 =	vor.u32 v38, v14;
	vm9 =	veq.s32 v60, v7  }
0x9e: {  	v11 =	vadd.f32 v35, v11;
	vm4 =	veq.s32 v31, v8;
	v19 =	vnsel vm12, $0x63, v19  }
0x9f: {  	v42 =	vsel vm0, $0x4000, v3;
	v17 =	vand.u32 $0x3FF0, v17;
	v12 =	vor.u32 v62, v12  }
0xa0: {  	v26 =	vor.u32 v37, v13;
	v20 =	vor.u32 v41, v24;
	v18 =	vor.u32 v43, v29  }
0xa1: {  	vm12 =	veq.s32 v31, v7;
	v24 =	vor.u32 v1, v45;
	vm13 =	vlt.s32 v22, $0x63  }
0xa2: {  	vm14 =	vlt.s32 v23, $0x63;
	v39 =	vsel vm4, $0x4000, v3;
	v47 =	vshll.u32 v19, $0x4  }
0xa3: {  	v19 =	vor.u32 v42, v44;
	v22 =	vnsel vm13, $0x63, v22;
	v23 =	vnsel vm14, $0x63, v23  }
0xa4: {  	vm14 =	veq.s32 v27, v7;
	vm13 =	veq.s32 v30, v7;
	v27 =	vor.u32 v1, v15  }
0xa5: {  	v16 =	vor.u32 v1, v47;
	v48 =	vshll.u32 v22, $0x4;
	v63 =	vshll.u32 v23, $0x4  }
0xa6: {  	v22 =	vor.u32 v39, v17;
	v17 =	vor.u32 v1, v46;
	v23 =	vor.u32 v1, v12  }
0xa7: {  	s19 =	simm.s32 $0xC0;
	s17 =	simm.s32 $0x0;
	v12 =	vor.u32 v1, v49;
	v14 =	vor.u32 v1, v48;
	v13 =	vor.u32 v1, v63  }
.LBB2_9:
0xa8: {  	v15 =	vld [tilespmem:s19+$0xFFFFFFC0];
	s17 =	sadd.s32 $0x8, s17;
	v26 =	vor.u32 v1, v26;
	v25 =	vor.u32 v1, v25;
	v22 =	vor.u32 v1, v22  }
0xa9: {  	v21 =	vor.u32 v1, v21;
	v20 =	vor.u32 v1, v20;
	v19 =	vor.u32 v1, v19;
	p0 =	slt.u32 s17, $0x7F8  }
0xaa: {  	vm14 =	vmor vm14, vm5;
	vm7 =	vmor vm15, vm7;
	v18 =	vor.u32 v1, v18;
	v29 =	vld [tilespmem:s19+$0xFFFFFFD0]  }
0xab: {  	vm6 =	vmor vm13, vm6;
	vm5 =	vmor vm12, vm4;
	vm4 =	vmor vm11, vm3;
	[tilespmem:v28+s28+$0x0] =	vst.idx.add.f32.msk $0xffff, v2  }
0xac: {  	vm3 =	vmor vm10, vm2;
	vm2 =	vmor vm9, vm0;
	vm0 =	vmor vm8, vm1;
	v28 =	vld [tilespmem:s19+$0xFFFFFFE0]  }
0xad: {  	v30 =	vsub.f32 v15, v4;
	v31 =	vmul.f32 v15, v5;
	v32 =	vshra.s32 v15, $0x1F;
	[tilespmem:v27+s28+$0x0] =	vst.idx.add.f32.msk $0xffff, v2  }
0xae: {  	v27 =	vor.u32 $0x80000000, v32;
	v32 =	vld [tilespmem:s19+$0xFFFFFFF0]  }
0xaf: {  	v30 =	vand.u32 $0x7FFFFFFF, v30;
	v33 =	vsub.f32 v29, v4;
	v34 =	vmul.f32 v29, v5;
	[tilespmem:v24+s28+$0x0] =	vst.idx.add.f32.msk $0xffff, v2  }
0xb0: {  	v24 =	vadd.f32 v31, v6;
	v11 =	vadd.f32 v30, v11;
	v30 =	vshra.s32 v29, $0x1F;
	v31 =	vld [tilespmem:s19+$0x0]  }
0xb1: {  	v33 =	vand.u32 $0x7FFFFFFF, v33;
	v35 =	vsub.f32 v28, v4;
	v36 =	vmul.f32 v28, v5;
	[tilespmem:v23+s29+$0x0] =	vst.idx.add.f32.msk vm14, v2  }
0xb2: {  	v23 =	vadd.f32 v34, v6;
	v11 =	vadd.f32 v33, v11;
	v33 =	vshra.s32 v28, $0x1F;
	v34 =	vld [tilespmem:s19+$0x10]  }
0xb3: {  	v35 =	vand.u32 $0x7FFFFFFF, v35;
	v37 =	vsub.f32 v32, v4;
	v38 =	vmul.f32 v32, v5;
	[tilespmem:v26+s29+$0x0] =	vst.idx.add.f32.msk vm7, v2  }
0xb4: {  	v26 =	vadd.f32 v36, v6;
	v11 =	vadd.f32 v35, v11;
	v35 =	vshra.s32 v32, $0x1F;
	v36 =	vld [tilespmem:s19+$0x20]  }
0xb5: {  	v37 =	vand.u32 $0x7FFFFFFF, v37;
	v39 =	vsub.f32 v31, v4;
	v40 =	vmul.f32 v31, v5;
	[tilespmem:v25+s29+$0x0] =	vst.idx.add.f32.msk vm6, v2  }
0xb6: {  	v25 =	vadd.f32 v38, v6;
	v11 =	vadd.f32 v37, v11;
	v37 =	vshra.s32 v31, $0x1F;
	v38 =	vld [tilespmem:s19+$0x30]  }
0xb7: {  	v39 =	vand.u32 $0x7FFFFFFF, v39;
	v41 =	vsub.f32 v34, v4;
	v42 =	vmul.f32 v34, v5;
	[tilespmem:v17+s28+$0x0] =	vst.idx.add.f32.msk $0xffff, v2  }
0xb8: {  	v17 =	vadd.f32 v40, v6;
	v11 =	vadd.f32 v39, v11;
	v39 =	vshra.s32 v34, $0x1F;
	[tilespmem:v22+s29+$0x0] =	vst.idx.add.f32.msk vm5, v2  }
0xb9: {  	v22 =	vand.u32 $0x7FFFFFFF, v41;
	v40 =	vsub.f32 v36, v4;
	v41 =	vmul.f32 v36, v5;
	[tilespmem:v16+s28+$0x0] =	vst.idx.add.f32.msk $0xffff, v2  }
0xba: {  	v16 =	vadd.f32 v42, v6;
	v11 =	vadd.f32 v22, v11;
	v22 =	vshra.s32 v36, $0x1F;
	[tilespmem:v21+s29+$0x0] =	vst.idx.add.f32.msk vm4, v2  }
0xbb: {  	v21 =	vand.u32 $0x7FFFFFFF, v40;
	v40 =	vsub.f32 v38, v4;
	v42 =	vmul.f32 v38, v5;
	[tilespmem:v14+s28+$0x0] =	vst.idx.add.f32.msk $0xffff, v2  }
0xbc: {  	v14 =	vadd.f32 v41, v6;
	v11 =	vadd.f32 v21, v11;
	v21 =	vshra.s32 v38, $0x1F;
	[tilespmem:v20+s29+$0x0] =	vst.idx.add.f32.msk vm3, v2  }
0xbd: {  	v20 =	vtrunc.f32 v24;
	v24 =	vand.u32 $0x7FFFFFFF, v40;
	v40 =	vadd.f32 v42, v6;
	[tilespmem:v13+s28+$0x0] =	vst.idx.add.f32.msk $0xffff, v2  }
0xbe: {  	v13 =	vtrunc.f32 v23;
	v23 =	vtrunc.f32 v26;
	v11 =	vadd.f32 v24, v11;
	[tilespmem:v19+s29+$0x0] =	vst.idx.add.f32.msk vm2, v2  }
0xbf: {  	v17 =	vtrunc.f32 v17;
	v19 =	vor.u32 $0x80000000, v30;
	v24 =	vtrunc.f32 v25;
	[tilespmem:v12+s28+$0x0] =	vst.idx.add.f32.msk $0xffff, v2  }
0xc0: {  	v16 =	vtrunc.f32 v16;
	v14 =	vtrunc.f32 v14;
	v12 =	vor.u32 $0x80000000, v33;
	[tilespmem:v18+s29+$0x0] =	vst.idx.add.f32.msk vm0, v2  }
0xc1: {  	v25 =	vor.u32 $0x80000000, v37;
	v26 =	vtrunc.f32 v40;
	v18 =	vor.u32 $0x80000000, v35  }
0xc2: {  	v22 =	vor.u32 $0x80000000, v22;
	v21 =	vor.u32 $0x80000000, v21;
	v30 =	vor.u32 $0x80000000, v39  }
0xc3: {  	v15 =	vxor.u32 v15, v27;
	v20 =	vcvt.f32.s32 v20;
	v13 =	vcvt.f32.s32 v13  }
0xc4: {  	v23 =	vcvt.f32.s32 v23;
	v19 =	vxor.u32 v29, v19;
	v24 =	vcvt.f32.s32 v24  }
0xc5: {  	v17 =	vcvt.f32.s32 v17;
	v16 =	vcvt.f32.s32 v16;
	v12 =	vxor.u32 v28, v12  }
0xc6: {  	v14 =	vcvt.f32.s32 v14;
	v26 =	vcvt.f32.s32 v26;
	v18 =	vxor.u32 v32, v18  }
0xc7: {  	v22 =	vxor.u32 v36, v22;
	v25 =	vxor.u32 v31, v25;
	v27 =	vxor.u32 v34, v30  }
0xc8: {  	v21 =	vxor.u32 v38, v21;
	v28 =	vshrl.u32 v15, $0x15;
	v29 =	vshrl.u32 v19, $0x15  }
0xc9: {  	v30 =	vshrl.u32 v12, $0x15;
	v32 =	vshrl.u32 v25, $0x15;
	v31 =	vshrl.u32 v18, $0x15  }
0xca: {  	v34 =	vshrl.u32 v22, $0x15;
	v33 =	vshrl.u32 v27, $0x15;
	v35 =	vshrl.u32 v21, $0x15  }
0xcb: {  	vm8 =	vlt.s32 v20, $0x63;
	vm9 =	vlt.s32 v13, $0x63;
	vm10 =	vlt.s32 v23, $0x63  }
0xcc: {  	vm12 =	vlt.s32 v17, $0x63;
	vm13 =	vlt.s32 v16, $0x63;
	vm11 =	vlt.s32 v24, $0x63  }
0xcd: {  	vm14 =	vlt.s32 v14, $0x63;
	vm5 =	veq.s32 v28, v8;
	vm15 =	vlt.s32 v26, $0x63  }
0xce: {  	vm7 =	veq.s32 v29, v8;
	vm6 =	veq.s32 v30, v8;
	vm4 =	veq.s32 v31, v8  }
0xcf: {  	vm0 =	veq.s32 v34, v8;
	vm2 =	veq.s32 v33, v8;
	vm3 =	veq.s32 v32, v8  }
0xd0: {  	v15 =	vshrl.u32 v15, $0x7;
	v19 =	vshrl.u32 v19, $0x7;
	vm1 =	veq.s32 v35, v8  }
0xd1: {  	v12 =	vshrl.u32 v12, $0x7;
	v25 =	vshrl.u32 v25, $0x7;
	v18 =	vshrl.u32 v18, $0x7  }
0xd2: {  	v22 =	vshrl.u32 v22, $0x7;
	v27 =	vshrl.u32 v27, $0x7;
	v21 =	vshrl.u32 v21, $0x7  }
0xd3: {  	v20 =	vnsel vm8, $0x63, v20;
	v13 =	vnsel vm9, $0x63, v13;
	v23 =	vnsel vm10, $0x63, v23  }
0xd4: {  	v17 =	vnsel vm12, $0x63, v17;
	v16 =	vnsel vm13, $0x63, v16;
	v24 =	vnsel vm11, $0x63, v24  }
0xd5: {  	v14 =	vnsel vm14, $0x63, v14;
	v36 =	vsel vm5, $0x4000, v3;
	v26 =	vnsel vm15, $0x63, v26  }
0xd6: {  	v37 =	vsel vm7, $0x4000, v3;
	v38 =	vsel vm6, $0x4000, v3;
	v39 =	vsel vm4, $0x4000, v3  }
0xd7: {  	v42 =	vsel vm0, $0x4000, v3;
	v41 =	vsel vm2, $0x4000, v3;
	v40 =	vsel vm3, $0x4000, v3  }
0xd8: {  	v15 =	vand.u32 $0x3FF0, v15;
	v19 =	vand.u32 $0x3FF0, v19;
	v43 =	vsel vm1, $0x4000, v3  }
0xd9: {  	v12 =	vand.u32 $0x3FF0, v12;
	v44 =	vand.u32 $0x3FF0, v25;
	v18 =	vand.u32 $0x3FF0, v18  }
0xda: {  	v45 =	vand.u32 $0x3FF0, v22;
	v27 =	vand.u32 $0x3FF0, v27;
	v46 =	vand.u32 $0x3FF0, v21  }
0xdb: {  	v47 =	vshll.u32 v20, $0x4;
	v13 =	vshll.u32 v13, $0x4;
	v23 =	vshll.u32 v23, $0x4  }
0xdc: {  	v49 =	vshll.u32 v17, $0x4;
	v50 =	vshll.u32 v16, $0x4;
	v48 =	vshll.u32 v24, $0x4  }
0xdd: {  	v15 =	vor.u32 v36, v15;
	v36 =	vshll.u32 v14, $0x4;
	v51 =	vshll.u32 v26, $0x4  }
0xde: {  	v26 =	vor.u32 v37, v19;
	v25 =	vor.u32 v38, v12;
	v22 =	vor.u32 v39, v18  }
0xdf: {  	v20 =	vor.u32 v41, v27;
	v21 =	vor.u32 v40, v44;
	v19 =	vor.u32 v42, v45  }
0xe0: {  	vm14 =	veq.s32 v28, v7;
	vm15 =	veq.s32 v29, v7;
	v18 =	vor.u32 v43, v46  }
.Ltmp5:
0xe1: {  	vm13 =	veq.s32 v30, v7;
	vm11 =	veq.s32 v32, v7;
	vm12 =	veq.s32 v31, v7;
	(pc) =	sbr.rel @p0 .LBB2_9-.Ltmp5, $4  }
0xe2: {  	vm10 =	veq.s32 v33, v7;
	vm9 =	veq.s32 v34, v7;
	vm8 =	veq.s32 v35, v7  }
0xe3: {  	v28 =	vor.u32 v1, v47;
	v27 =	vor.u32 v1, v13;
	v24 =	vor.u32 v1, v23  }
0xe4: {  	v16 =	vor.u32 v1, v49;
	v14 =	vor.u32 v1, v50;
	v17 =	vor.u32 v1, v48  }
0xe5: {  	s19 =	sadd.s32 $0x80, s19;
	v23 =	vor.u32 v1, v15;
	v13 =	vor.u32 v1, v36;
	v12 =	vor.u32 v1, v51  }
0xe6: {  	_ =	sdelay $0x3  }
0xe7: {  	[tilespmem:v28+s28+$0x0] =	vst.idx.add.f32.msk $0xffff, v2  }
0xe8: {  	[tilespmem:v27+s28+$0x0] =	vst.idx.add.f32.msk $0xffff, v2  }
0xe9: {  	vm5 =	vmor vm14, vm5;
	[tilespmem:v24+s28+$0x0] =	vst.idx.add.f32.msk $0xffff, v2  }
0xea: {  	vm7 =	vmor vm15, vm7;
	[tilespmem:v17+s28+$0x0] =	vst.idx.add.f32.msk $0xffff, v2  }
0xeb: {  	v15 =	vor.u32 v1, v26;
	vm6 =	vmor vm13, vm6;
	[tilespmem:v16+s28+$0x0] =	vst.idx.add.f32.msk $0xffff, v2  }
0xec: {  	v25 =	vor.u32 v1, v25;
	vm4 =	vmor vm12, vm4;
	[tilespmem:v14+s28+$0x0] =	vst.idx.add.f32.msk $0xffff, v2  }
0xed: {  	v22 =	vor.u32 v1, v22;
	vm3 =	vmor vm11, vm3;
	[tilespmem:v13+s28+$0x0] =	vst.idx.add.f32.msk $0xffff, v2  }
0xee: {  	v21 =	vor.u32 v1, v21;
	vm0 =	vmor vm9, vm0;
	[tilespmem:v12+s28+$0x0] =	vst.idx.add.f32.msk $0xffff, v2  }
0xef: {  	v17 =	vor.u32 v1, v19;
	vm1 =	vmor vm8, vm1;
	[tilespmem:v23+s29+$0x0] =	vst.idx.add.f32.msk vm5, v2  }
0xf0: {  	vm2 =	vmor vm10, vm2;
	v16 =	vor.u32 v1, v18;
	[tilespmem:v15+s29+$0x0] =	vst.idx.add.f32.msk vm7, v2  }
0xf1: {  	[tilespmem:v25+s29+$0x0] =	vst.idx.add.f32.msk vm6, v2;
	v15 =	vor.u32 v1, v20  }
0xf2: {  	[tilespmem:v22+s29+$0x0] =	vst.idx.add.f32.msk vm4, v2  }
0xf3: {  	s17 =	sshll.u32 s0, $0x13;
	p0 =	seq.s32 s0, $0xF;
	[tilespmem:v21+s29+$0x0] =	vst.idx.add.f32.msk vm3, v2  }
0xf4: {  	s19 =	sadd.s32 @!p0 s17, s11;
	[tilespmem:v17+s29+$0x0] =	vst.idx.add.f32.msk vm0, v2  }
0xf5: {  	s20 =	simm.s32 @!p0 $0x80;
	s19 =	sshrl.u32 @!p0 s19, $0x3;
	[tilespmem:v16+s29+$0x0] =	vst.idx.add.f32.msk vm1, v2  }
0xf6: {  	s21 =	simm.s32 @!p0 $0x400;
	s22 =	simm.s32 @!p0 $0x0;
	s19 =	sadd.s32 @!p0 s1, s19;
	[tilespmem:v15+s29+$0x0] =	vst.idx.add.f32.msk vm2, v2  }
0xf7: {  	[tilespmem:s22], [sflag:$0x1] =	stream.strided.gather @!p0 [hbm4b:s19+s20], $0x8000, s21, s20, $0x38;
	[tilespmem:$0x18800] =	vst v63  }
0xf8: {  	_ =	swait.ge [sflag:s30], $0x8000  }
0xf9: {  	[sflag:s30] =	ssyncset.done $0x0  }
0xfa: {  	s22 =	simm.s32 $0x8040;
	[sflag:s30] =	ssyncadd.s32 $0xFFFF8000  }
0xfb: {  	v12 =	vld [tilespmem:s22+$0xFFFFFFC0]  }
0xfc: {  	v13 =	vld [tilespmem:s22+$0xFFFFFFD0]  }
0xfd: {  	v14 =	vld [tilespmem:s22+$0xFFFFFFE0]  }
0xfe: {  	v18 =	vld [tilespmem:s22+$0xFFFFFFF0]  }
0xff: {  	v21 =	vld [tilespmem:s22+$0x0]  }
0x100: {  	v24 =	vld [tilespmem:s22+$0x10]  }
0x101: {  	v10 =	vadd.f32 v11, v10;
	v16 =	vimm.f32 $0.0e+00;
	v27 =	vld [tilespmem:s22+$0x20];
	v11 =	vsub.f32 v12, v4  }
0x102: {  	v30 =	vld [tilespmem:s22+$0x30];
	v15 =	vshra.s32 v12, $0x1F;
	v17 =	vmul.f32 v12, v5;
	v19 =	vsub.f32 v13, v4  }
0x103: {  	v20 =	vmul.f32 v13, v5;
	v22 =	vsub.f32 v14, v4;
	v23 =	vmul.f32 v14, v5  }
0x104: {  	v25 =	vsub.f32 v18, v4;
	v26 =	vmul.f32 v18, v5;
	v28 =	vsub.f32 v21, v4  }
0x105: {  	v29 =	vmul.f32 v21, v5;
	v31 =	vsub.f32 v24, v4;
	v32 =	vmul.f32 v24, v5  }
0x106: {  	v33 =	vsub.f32 v27, v4;
	v34 =	vmul.f32 v27, v5;
	v54 =	vshra.s32 v27, $0x1F  }
0x107: {  	v35 =	vsub.f32 v30, v4;
	v36 =	vmul.f32 v30, v5;
	v56 =	vshra.s32 v30, $0x1F  }
0x108: {  	v15 =	vor.u32 $0x80000000, v15;
	v11 =	vand.u32 $0x7FFFFFFF, v11;
	v19 =	vand.u32 $0x7FFFFFFF, v19  }
0x109: {  	v22 =	vand.u32 $0x7FFFFFFF, v22;
	v25 =	vand.u32 $0x7FFFFFFF, v25;
	v28 =	vand.u32 $0x7FFFFFFF, v28  }
0x10a: {  	v31 =	vand.u32 $0x7FFFFFFF, v31;
	v33 =	vand.u32 $0x7FFFFFFF, v33;
	v55 =	vadd.f32 v34, v6  }
0x10b: {  	v35 =	vand.u32 $0x7FFFFFFF, v35;
	v36 =	vadd.f32 v36, v6;
	v34 =	vor.u32 $0x80000000, v56  }
0x10c: {  	v11 =	vadd.f32 v11, v16;
	v16 =	vadd.f32 v17, v6;
	v17 =	vshra.s32 v13, $0x1F  }
0x10d: {  	v12 =	vxor.u32 v12, v15;
	v17 =	vor.u32 $0x80000000, v17;
	v57 =	vtrunc.f32 v36  }
0x10e: {  	v11 =	vadd.f32 v19, v11;
	v19 =	vadd.f32 v20, v6;
	v20 =	vshra.s32 v14, $0x1F  }
0x10f: {  	v16 =	vtrunc.f32 v16;
	v13 =	vxor.u32 v13, v17;
	v20 =	vor.u32 $0x80000000, v20  }
0x110: {  	v16 =	vcvt.f32.s32 v16;
	v11 =	vadd.f32 v22, v11;
	v22 =	vadd.f32 v23, v6  }
0x111: {  	v23 =	vshra.s32 v18, $0x1F;
	v19 =	vtrunc.f32 v19;
	v14 =	vxor.u32 v14, v20  }
0x112: {  	v23 =	vor.u32 $0x80000000, v23;
	v15 =	vcvt.f32.s32 v19;
	vm8 =	vlt.s32 v16, $0x63  }
0x113: {  	v11 =	vadd.f32 v25, v11;
	v25 =	vadd.f32 v26, v6;
	v26 =	vshra.s32 v21, $0x1F  }
0x114: {  	v22 =	vtrunc.f32 v22;
	v18 =	vxor.u32 v18, v23;
	v16 =	vnsel vm8, $0x63, v16  }
0x115: {  	v26 =	vor.u32 $0x80000000, v26;
	v17 =	vcvt.f32.s32 v22;
	vm9 =	vlt.s32 v15, $0x63  }
0x116: {  	v16 =	vshll.u32 v16, $0x4;
	v11 =	vadd.f32 v28, v11;
	v28 =	vadd.f32 v29, v6  }
0x117: {  	v29 =	vshra.s32 v24, $0x1F;
	v25 =	vtrunc.f32 v25;
	v21 =	vxor.u32 v21, v26  }
0x118: {  	v15 =	vnsel vm9, $0x63, v15;
	v29 =	vor.u32 $0x80000000, v29;
	v19 =	vcvt.f32.s32 v25  }
0x119: {  	v25 =	vcvt.f32.s32 v57;
	v58 =	vshrl.u32 v21, $0x15;
	vm10 =	vlt.s32 v17, $0x63  }
0x11a: {  	v21 =	vshrl.u32 v21, $0x7;
	v15 =	vshll.u32 v15, $0x4;
	v11 =	vadd.f32 v31, v11  }
0x11b: {  	v31 =	vadd.f32 v32, v6;
	v28 =	vtrunc.f32 v28;
	v32 =	vor.u32 $0x80000000, v54  }
0x11c: {  	v24 =	vxor.u32 v24, v29;
	v29 =	vxor.u32 v30, v34;
	v30 =	vshrl.u32 v14, $0x15  }
0x11d: {  	vm3 =	veq.s32 v58, v8;
	v14 =	vshrl.u32 v14, $0x7;
	v17 =	vnsel vm10, $0x63, v17  }
0x11e: {  	v21 =	vand.u32 $0x3FF0, v21;
	v20 =	vcvt.f32.s32 v28;
	v26 =	vxor.u32 v27, v32  }
0x11f: {  	v27 =	vshrl.u32 v12, $0x15;
	v28 =	vshrl.u32 v13, $0x15;
	v59 =	vshrl.u32 v24, $0x15  }
0x120: {  	v61 =	vshrl.u32 v29, $0x15;
	vm11 =	vlt.s32 v19, $0x63;
	vm15 =	vlt.s32 v25, $0x63  }
0x121: {  	vm6 =	veq.s32 v30, v8;
	v12 =	vshrl.u32 v12, $0x7;
	v13 =	vshrl.u32 v13, $0x7  }
0x122: {  	v24 =	vshrl.u32 v24, $0x7;
	v29 =	vshrl.u32 v29, $0x7;
	v40 =	vsel vm3, $0x4000, v3  }
0x123: {  	v14 =	vand.u32 $0x3FF0, v14;
	v17 =	vshll.u32 v17, $0x4;
	v11 =	vadd.f32 v33, v11  }
0x124: {  	v31 =	vtrunc.f32 v31;
	v33 =	vtrunc.f32 v55;
	v60 =	vshrl.u32 v26, $0x15  }
0x125: {  	vm5 =	veq.s32 v27, v8;
	vm7 =	veq.s32 v28, v8;
	vm2 =	veq.s32 v59, v8  }
0x126: {  	vm1 =	veq.s32 v61, v8;
	v26 =	vshrl.u32 v26, $0x7;
	v19 =	vnsel vm11, $0x63, v19  }
0x127: {  	v25 =	vnsel vm15, $0x63, v25;
	v38 =	vsel vm6, $0x4000, v3;
	v12 =	vand.u32 $0x3FF0, v12  }
0x128: {  	v13 =	vand.u32 $0x3FF0, v13;
	v24 =	vand.u32 $0x3FF0, v24;
	v29 =	vand.u32 $0x3FF0, v29  }
0x129: {  	v21 =	vor.u32 v40, v21;
	vm15 =	veq.s32 v28, v7;
	vm11 =	veq.s32 v58, v7  }
0x12a: {  	vm10 =	veq.s32 v59, v7;
	vm8 =	veq.s32 v61, v7;
	v28 =	vor.u32 v1, v16  }
0x12b: {  	v22 =	vcvt.f32.s32 v31;
	v23 =	vcvt.f32.s32 v33;
	v31 =	vshrl.u32 v18, $0x15  }
0x12c: {  	vm12 =	vlt.s32 v20, $0x63;
	vm0 =	veq.s32 v60, v8;
	v18 =	vshrl.u32 v18, $0x7  }
0x12d: {  	v62 =	vsel vm5, $0x4000, v3;
	v37 =	vsel vm7, $0x4000, v3;
	v41 =	vsel vm2, $0x4000, v3  }
0x12e: {  	v43 =	vsel vm1, $0x4000, v3;
	v44 =	vand.u32 $0x3FF0, v26;
	v45 =	vshll.u32 v19, $0x4  }
0x12f: {  	v48 =	vshll.u32 v25, $0x4;
	v25 =	vor.u32 v38, v14;
	vm9 =	veq.s32 v60, v7  }
0x130: {  	v11 =	vadd.f32 v35, v11;
	vm4 =	veq.s32 v31, v8;
	v20 =	vnsel vm12, $0x63, v20  }
0x131: {  	v42 =	vsel vm0, $0x4000, v3;
	v18 =	vand.u32 $0x3FF0, v18;
	v12 =	vor.u32 v62, v12  }
0x132: {  	v26 =	vor.u32 v37, v13;
	vm12 =	veq.s32 v31, v7;
	vm13 =	vlt.s32 v22, $0x63  }
0x133: {  	vm14 =	vlt.s32 v23, $0x63;
	v39 =	vsel vm4, $0x4000, v3;
	v46 =	vshll.u32 v20, $0x4  }
0x134: {  	v20 =	vor.u32 v41, v24;
	v19 =	vor.u32 v42, v44;
	v24 =	vor.u32 v1, v17  }
0x135: {  	v17 =	vor.u32 v1, v45;
	v22 =	vnsel vm13, $0x63, v22;
	v23 =	vnsel vm14, $0x63, v23  }
0x136: {  	vm14 =	veq.s32 v27, v7;
	vm13 =	veq.s32 v30, v7;
	v27 =	vor.u32 v1, v15  }
0x137: {  	v16 =	vor.u32 v1, v46;
	v47 =	vshll.u32 v22, $0x4;
	v63 =	vshll.u32 v23, $0x4  }
0x138: {  	v22 =	vor.u32 v39, v18;
	v18 =	vor.u32 v43, v29;
	v23 =	vor.u32 v1, v12  }
0x139: {  	s19 =	simm.s32 $0x0;
	s20 =	simm.s32 $0x80C0;
	v12 =	vor.u32 v1, v48;
	v14 =	vor.u32 v1, v47;
	v13 =	vor.u32 v1, v63  }
.LBB2_11:
0x13a: {  	v15 =	vld [tilespmem:s20+$0xFFFFFFC0];
	s19 =	sadd.s32 $0x8, s19;
	v26 =	vor.u32 v1, v26;
	v25 =	vor.u32 v1, v25;
	v22 =	vor.u32 v1, v22  }
0x13b: {  	v21 =	vor.u32 v1, v21;
	v20 =	vor.u32 v1, v20;
	v19 =	vor.u32 v1, v19;
	p1 =	slt.u32 s19, $0x7F8  }
0x13c: {  	vm14 =	vmor vm14, vm5;
	vm7 =	vmor vm15, vm7;
	v18 =	vor.u32 v1, v18;
	v29 =	vld [tilespmem:s20+$0xFFFFFFD0]  }
0x13d: {  	vm6 =	vmor vm13, vm6;
	vm5 =	vmor vm12, vm4;
	vm4 =	vmor vm11, vm3;
	[tilespmem:v28+s28+$0x0] =	vst.idx.add.f32.msk $0xffff, v2  }
0x13e: {  	vm3 =	vmor vm10, vm2;
	vm2 =	vmor vm9, vm0;
	vm0 =	vmor vm8, vm1;
	v28 =	vld [tilespmem:s20+$0xFFFFFFE0]  }
0x13f: {  	v30 =	vsub.f32 v15, v4;
	v31 =	vmul.f32 v15, v5;
	v32 =	vshra.s32 v15, $0x1F;
	[tilespmem:v27+s28+$0x0] =	vst.idx.add.f32.msk $0xffff, v2  }
0x140: {  	v27 =	vor.u32 $0x80000000, v32;
	v32 =	vld [tilespmem:s20+$0xFFFFFFF0]  }
0x141: {  	v30 =	vand.u32 $0x7FFFFFFF, v30;
	v33 =	vsub.f32 v29, v4;
	v34 =	vmul.f32 v29, v5;
	[tilespmem:v24+s28+$0x0] =	vst.idx.add.f32.msk $0xffff, v2  }
0x142: {  	v24 =	vadd.f32 v31, v6;
	v11 =	vadd.f32 v30, v11;
	v30 =	vshra.s32 v29, $0x1F;
	v31 =	vld [tilespmem:s20+$0x0]  }
0x143: {  	v33 =	vand.u32 $0x7FFFFFFF, v33;
	v35 =	vsub.f32 v28, v4;
	v36 =	vmul.f32 v28, v5;
	[tilespmem:v23+s29+$0x0] =	vst.idx.add.f32.msk vm14, v2  }
0x144: {  	v23 =	vadd.f32 v34, v6;
	v11 =	vadd.f32 v33, v11;
	v33 =	vshra.s32 v28, $0x1F;
	v34 =	vld [tilespmem:s20+$0x10]  }
0x145: {  	v35 =	vand.u32 $0x7FFFFFFF, v35;
	v37 =	vsub.f32 v32, v4;
	v38 =	vmul.f32 v32, v5;
	[tilespmem:v26+s29+$0x0] =	vst.idx.add.f32.msk vm7, v2  }
0x146: {  	v26 =	vadd.f32 v36, v6;
	v11 =	vadd.f32 v35, v11;
	v35 =	vshra.s32 v32, $0x1F;
	v36 =	vld [tilespmem:s20+$0x20]  }
0x147: {  	v37 =	vand.u32 $0x7FFFFFFF, v37;
	v39 =	vsub.f32 v31, v4;
	v40 =	vmul.f32 v31, v5;
	[tilespmem:v25+s29+$0x0] =	vst.idx.add.f32.msk vm6, v2  }
0x148: {  	v25 =	vadd.f32 v38, v6;
	v11 =	vadd.f32 v37, v11;
	v37 =	vshra.s32 v31, $0x1F;
	v38 =	vld [tilespmem:s20+$0x30]  }
0x149: {  	v39 =	vand.u32 $0x7FFFFFFF, v39;
	v41 =	vsub.f32 v34, v4;
	v42 =	vmul.f32 v34, v5;
	[tilespmem:v17+s28+$0x0] =	vst.idx.add.f32.msk $0xffff, v2  }
0x14a: {  	v17 =	vadd.f32 v40, v6;
	v11 =	vadd.f32 v39, v11;
	v39 =	vshra.s32 v34, $0x1F;
	[tilespmem:v22+s29+$0x0] =	vst.idx.add.f32.msk vm5, v2  }
0x14b: {  	v22 =	vand.u32 $0x7FFFFFFF, v41;
	v40 =	vsub.f32 v36, v4;
	v41 =	vmul.f32 v36, v5;
	[tilespmem:v16+s28+$0x0] =	vst.idx.add.f32.msk $0xffff, v2  }
0x14c: {  	v16 =	vadd.f32 v42, v6;
	v11 =	vadd.f32 v22, v11;
	v22 =	vshra.s32 v36, $0x1F;
	[tilespmem:v21+s29+$0x0] =	vst.idx.add.f32.msk vm4, v2  }
0x14d: {  	v21 =	vand.u32 $0x7FFFFFFF, v40;
	v40 =	vsub.f32 v38, v4;
	v42 =	vmul.f32 v38, v5;
	[tilespmem:v14+s28+$0x0] =	vst.idx.add.f32.msk $0xffff, v2  }
0x14e: {  	v14 =	vadd.f32 v41, v6;
	v11 =	vadd.f32 v21, v11;
	v21 =	vshra.s32 v38, $0x1F;
	[tilespmem:v20+s29+$0x0] =	vst.idx.add.f32.msk vm3, v2  }
0x14f: {  	v20 =	vtrunc.f32 v24;
	v24 =	vand.u32 $0x7FFFFFFF, v40;
	v40 =	vadd.f32 v42, v6;
	[tilespmem:v13+s28+$0x0] =	vst.idx.add.f32.msk $0xffff, v2  }
0x150: {  	v13 =	vtrunc.f32 v23;
	v23 =	vtrunc.f32 v26;
	v11 =	vadd.f32 v24, v11;
	[tilespmem:v19+s29+$0x0] =	vst.idx.add.f32.msk vm2, v2  }
0x151: {  	v17 =	vtrunc.f32 v17;
	v19 =	vor.u32 $0x80000000, v30;
	v24 =	vtrunc.f32 v25;
	[tilespmem:v12+s28+$0x0] =	vst.idx.add.f32.msk $0xffff, v2  }
0x152: {  	v16 =	vtrunc.f32 v16;
	v14 =	vtrunc.f32 v14;
	v12 =	vor.u32 $0x80000000, v33;
	[tilespmem:v18+s29+$0x0] =	vst.idx.add.f32.msk vm0, v2  }
0x153: {  	v25 =	vor.u32 $0x80000000, v37;
	v26 =	vtrunc.f32 v40;
	v18 =	vor.u32 $0x80000000, v35  }
0x154: {  	v22 =	vor.u32 $0x80000000, v22;
	v21 =	vor.u32 $0x80000000, v21;
	v30 =	vor.u32 $0x80000000, v39  }
0x155: {  	v15 =	vxor.u32 v15, v27;
	v20 =	vcvt.f32.s32 v20;
	v13 =	vcvt.f32.s32 v13  }
0x156: {  	v23 =	vcvt.f32.s32 v23;
	v19 =	vxor.u32 v29, v19;
	v24 =	vcvt.f32.s32 v24  }
0x157: {  	v17 =	vcvt.f32.s32 v17;
	v16 =	vcvt.f32.s32 v16;
	v12 =	vxor.u32 v28, v12  }
0x158: {  	v14 =	vcvt.f32.s32 v14;
	v26 =	vcvt.f32.s32 v26;
	v18 =	vxor.u32 v32, v18  }
0x159: {  	v22 =	vxor.u32 v36, v22;
	v25 =	vxor.u32 v31, v25;
	v27 =	vxor.u32 v34, v30  }
0x15a: {  	v21 =	vxor.u32 v38, v21;
	v28 =	vshrl.u32 v15, $0x15;
	v29 =	vshrl.u32 v19, $0x15  }
0x15b: {  	v30 =	vshrl.u32 v12, $0x15;
	v32 =	vshrl.u32 v25, $0x15;
	v31 =	vshrl.u32 v18, $0x15  }
0x15c: {  	v34 =	vshrl.u32 v22, $0x15;
	v33 =	vshrl.u32 v27, $0x15;
	v35 =	vshrl.u32 v21, $0x15  }
0x15d: {  	vm8 =	vlt.s32 v20, $0x63;
	vm9 =	vlt.s32 v13, $0x63;
	vm10 =	vlt.s32 v23, $0x63  }
0x15e: {  	vm12 =	vlt.s32 v17, $0x63;
	vm13 =	vlt.s32 v16, $0x63;
	vm11 =	vlt.s32 v24, $0x63  }
0x15f: {  	vm14 =	vlt.s32 v14, $0x63;
	vm5 =	veq.s32 v28, v8;
	vm15 =	vlt.s32 v26, $0x63  }
0x160: {  	vm7 =	veq.s32 v29, v8;
	vm6 =	veq.s32 v30, v8;
	vm4 =	veq.s32 v31, v8  }
0x161: {  	vm0 =	veq.s32 v34, v8;
	vm2 =	veq.s32 v33, v8;
	vm3 =	veq.s32 v32, v8  }
0x162: {  	v15 =	vshrl.u32 v15, $0x7;
	v19 =	vshrl.u32 v19, $0x7;
	vm1 =	veq.s32 v35, v8  }
0x163: {  	v12 =	vshrl.u32 v12, $0x7;
	v25 =	vshrl.u32 v25, $0x7;
	v18 =	vshrl.u32 v18, $0x7  }
0x164: {  	v22 =	vshrl.u32 v22, $0x7;
	v27 =	vshrl.u32 v27, $0x7;
	v21 =	vshrl.u32 v21, $0x7  }
0x165: {  	v20 =	vnsel vm8, $0x63, v20;
	v13 =	vnsel vm9, $0x63, v13;
	v23 =	vnsel vm10, $0x63, v23  }
0x166: {  	v17 =	vnsel vm12, $0x63, v17;
	v16 =	vnsel vm13, $0x63, v16;
	v24 =	vnsel vm11, $0x63, v24  }
0x167: {  	v14 =	vnsel vm14, $0x63, v14;
	v36 =	vsel vm5, $0x4000, v3;
	v26 =	vnsel vm15, $0x63, v26  }
0x168: {  	v37 =	vsel vm7, $0x4000, v3;
	v38 =	vsel vm6, $0x4000, v3;
	v39 =	vsel vm4, $0x4000, v3  }
0x169: {  	v42 =	vsel vm0, $0x4000, v3;
	v41 =	vsel vm2, $0x4000, v3;
	v40 =	vsel vm3, $0x4000, v3  }
0x16a: {  	v15 =	vand.u32 $0x3FF0, v15;
	v19 =	vand.u32 $0x3FF0, v19;
	v43 =	vsel vm1, $0x4000, v3  }
0x16b: {  	v12 =	vand.u32 $0x3FF0, v12;
	v44 =	vand.u32 $0x3FF0, v25;
	v18 =	vand.u32 $0x3FF0, v18  }
0x16c: {  	v45 =	vand.u32 $0x3FF0, v22;
	v27 =	vand.u32 $0x3FF0, v27;
	v46 =	vand.u32 $0x3FF0, v21  }
0x16d: {  	v47 =	vshll.u32 v20, $0x4;
	v13 =	vshll.u32 v13, $0x4;
	v23 =	vshll.u32 v23, $0x4  }
0x16e: {  	v49 =	vshll.u32 v17, $0x4;
	v50 =	vshll.u32 v16, $0x4;
	v48 =	vshll.u32 v24, $0x4  }
0x16f: {  	v15 =	vor.u32 v36, v15;
	v36 =	vshll.u32 v14, $0x4;
	v51 =	vshll.u32 v26, $0x4  }
0x170: {  	v26 =	vor.u32 v37, v19;
	v25 =	vor.u32 v38, v12;
	v22 =	vor.u32 v39, v18  }
0x171: {  	v20 =	vor.u32 v41, v27;
	v21 =	vor.u32 v40, v44;
	v19 =	vor.u32 v42, v45  }
0x172: {  	vm14 =	veq.s32 v28, v7;
	vm15 =	veq.s32 v29, v7;
	v18 =	vor.u32 v43, v46  }
.Ltmp6:
0x173: {  	vm13 =	veq.s32 v30, v7;
	vm11 =	veq.s32 v32, v7;
	vm12 =	veq.s32 v31, v7;
	(pc) =	sbr.rel @p1 .LBB2_11-.Ltmp6, $4  }
0x174: {  	vm10 =	veq.s32 v33, v7;
	vm9 =	veq.s32 v34, v7;
	vm8 =	veq.s32 v35, v7  }
0x175: {  	v28 =	vor.u32 v1, v47;
	v27 =	vor.u32 v1, v13;
	v24 =	vor.u32 v1, v23  }
0x176: {  	v16 =	vor.u32 v1, v49;
	v14 =	vor.u32 v1, v50;
	v17 =	vor.u32 v1, v48  }
0x177: {  	s20 =	sadd.s32 $0x80, s20;
	v23 =	vor.u32 v1, v15;
	v13 =	vor.u32 v1, v36;
	v12 =	vor.u32 v1, v51  }
0x178: {  	_ =	sdelay $0x3  }
0x179: {  	[tilespmem:v28+s28+$0x0] =	vst.idx.add.f32.msk $0xffff, v2  }
0x17a: {  	[tilespmem:v27+s28+$0x0] =	vst.idx.add.f32.msk $0xffff, v2  }
0x17b: {  	vm5 =	vmor vm14, vm5;
	[tilespmem:v24+s28+$0x0] =	vst.idx.add.f32.msk $0xffff, v2  }
0x17c: {  	vm7 =	vmor vm15, vm7;
	[tilespmem:v17+s28+$0x0] =	vst.idx.add.f32.msk $0xffff, v2  }
0x17d: {  	v15 =	vor.u32 v1, v26;
	vm6 =	vmor vm13, vm6;
	[tilespmem:v16+s28+$0x0] =	vst.idx.add.f32.msk $0xffff, v2  }
0x17e: {  	v25 =	vor.u32 v1, v25;
	vm4 =	vmor vm12, vm4;
	[tilespmem:v14+s28+$0x0] =	vst.idx.add.f32.msk $0xffff, v2  }
0x17f: {  	v22 =	vor.u32 v1, v22;
	vm3 =	vmor vm11, vm3;
	[tilespmem:v13+s28+$0x0] =	vst.idx.add.f32.msk $0xffff, v2  }
0x180: {  	v21 =	vor.u32 v1, v21;
	vm2 =	vmor vm10, vm2;
	[tilespmem:v12+s28+$0x0] =	vst.idx.add.f32.msk $0xffff, v2  }
0x181: {  	v61 =	vor.u32 v1, v20;
	vm0 =	vmor vm9, vm0;
	[tilespmem:v23+s29+$0x0] =	vst.idx.add.f32.msk vm5, v2  }
0x182: {  	v62 =	vor.u32 v1, v19;
	vm1 =	vmor vm8, vm1;
	[tilespmem:v15+s29+$0x0] =	vst.idx.add.f32.msk vm7, v2  }
0x183: {  	v63 =	vor.u32 v1, v18;
	[tilespmem:v25+s29+$0x0] =	vst.idx.add.f32.msk vm6, v2  }
.Ltmp7:
0x184: {  	[tilespmem:v22+s29+$0x0] =	vst.idx.add.f32.msk vm4, v2;
	(pc) =	sbr.rel @p0 .LBB2_14-.Ltmp7, $4  }
0x185: {  	[tilespmem:v21+s29+$0x0] =	vst.idx.add.f32.msk vm3, v2  }
0x186: {  	[tilespmem:v61+s29+$0x0] =	vst.idx.add.f32.msk vm2, v2  }
0x187: {  	v10 =	vadd.f32 v11, v10;
	[tilespmem:v62+s29+$0x0] =	vst.idx.add.f32.msk vm0, v2  }
0x188: {  	[tilespmem:v63+s29+$0x0] =	vst.idx.add.f32.msk vm1, v2  }
.Ltmp8:
0x189: {  	(pc) =	sbr.rel .LBB2_8-.Ltmp8, $4  }
0x18a: {  	s17 =	sadd.s32 s17, s12  }
0x18b: {  	s17 =	sshrl.u32 s17, $0x3  }
0x18c: {  	s0 =	sadd.s32 $0x1, s0;
	s17 =	sadd.s32 s1, s17  }
0x18d: {  	[tilespmem:s25], [sflag:$0x2] =	stream.strided.gather [hbm4b:s17+s23], $0x8000, s24, s23, $0x38;
	[tilespmem:$0x18800] =	vst v63  }
.LBB2_15:
0x18e: {  	_ =	sfence.sel $0x180000  }
0x18f: {  	[bflag:$0x0] =	sbarrier.arrive $0xFFFF  }
0x190: {  	_ =	strace $0x9000004A  }
0x191: {  	s0 =	stileid.u32;
	[bflag:$0x2] =	sbarrier.arrive $0xFFFF  }
0x192: {  	p0 =	sne.s32 s0, $0x0;
	s0 =	rddreg [dreg:$0x3]  }
0x193: {  	s0 =	sadd.s32 @!p0 $0x100000, s0  }
0x194: {  	[sflag:s0] =	ssyncadd.tile.s32 @!p0 $0x1;
	_ =	shalt  }
.Lfunc_end2:
_tile_overlayer_lowered:
.L_overlay_start_2:
0x195: {  	(tag) =	ssettag $0x2  }
0x196: {  	s0 =	rddreg [dreg:$0x0];
	s2 =	stileid.u32  }
0x197: {  	s1 =	rddreg [dreg:$0x1];
	p0 =	sne.s32 s2, $0x0  }
0x198: {  	s3 =	rddreg [dreg:$0x2];
	[bflag:$0x3] =	sbarrier.arrive $0xFFFF;
	s2 =	simm.s32 @!p0 $0x1C03  }
0x199: {  	[timem:s3], [sflag:s2] =	dma.local @!p0 [hbm:s0], s1  }
0x19a: {  	s0 =	simm.s32 @!p0 $0x3  }
0x19b: {  	_ =	swait.ge @!p0 [sflag:s0], s1  }
0x19c: {  	s1 =	ssub.s32 @!p0 $0x0, s1;
	[sflag:s0] =	ssyncset.done @!p0 $0x0  }
0x19d: {  	[sflag:s0] =	ssyncadd.s32 @!p0 s1  }
0x19e: {  	[bflag:$0x3] =	sbarrier.arrive $0xFFFF  }
0x19f: {  	_ =	shalt  }

</sc_bundles>
